<compile_context>
chip_gen: v7x
topology: tpu7x:2x2x1
jax: 0.10.2.dev20260603
libtpu: 0.0.44.dev20260713+nightly
codegen_flags: <defaults>
</compile_context>

<pallas_src>
import functools

import jax
import jax.numpy as jnp
from jax import lax
from jax.experimental import pallas as pl
from jax.experimental.pallas import tpu as pltpu
from jax.experimental.pallas import tpu_sc as plsc

_NC = 2
_NS = 16
_NW = _NC * _NS
_CHUNK = 128
_DW = 8
_G = 64


def _make_deg_kernel(NPAD, NCHUNK):
    rpt = NPAD // _NS
    mesh = plsc.VectorSubcoreMesh(core_axis_name="c", subcore_axis_name="s")

    @functools.partial(
        pl.kernel,
        out_type=jax.ShapeDtypeStruct((_NC, NPAD, _DW), jnp.float32),
        mesh=mesh,
        scratch_types=[
            pltpu.VMEM((NCHUNK, _CHUNK), jnp.int32),
            pltpu.VMEM((_CHUNK, _DW), jnp.float32),
            pltpu.VMEM_SHARED((NPAD, _DW), jnp.float32),
            pltpu.SemaphoreType.DMA,
        ],
        compiler_params=pltpu.CompilerParams(use_tc_tiling_on_sc=False),
    )
    def deg_kernel(dst_hbm, ones_hbm, zeros_hbm, out_hbm, didx, ones_v, acc,
                   sem):
        cid = lax.axis_index("c")
        sid = lax.axis_index("s")
        wid = sid * _NC + cid
        r0 = sid * rpt
        pltpu.sync_copy(zeros_hbm, acc.at[pl.ds(r0, rpt)])
        pltpu.sync_copy(ones_hbm, ones_v)
        pltpu.sync_copy(dst_hbm.at[wid], didx)
        plsc.subcore_barrier()

        def fire(j, carry):
            pltpu.async_copy(ones_v, acc.at[didx.at[j]], sem, add=True)
            return carry

        lax.fori_loop(0, NCHUNK, fire, 0)

        def drain(j, carry):
            pltpu.make_async_copy(ones_v, acc.at[didx.at[j]], sem).wait()
            return carry

        lax.fori_loop(0, NCHUNK, drain, 0)
        plsc.subcore_barrier()
        pltpu.sync_copy(acc.at[pl.ds(r0, rpt)],
                        out_hbm.at[cid, pl.ds(r0, rpt)])

    return deg_kernel


_NB = 4


def _make_msg_kernel(NPAD, H, NCHUNK):
    rpt = NPAD // _NS
    mesh = plsc.VectorSubcoreMesh(core_axis_name="c", subcore_axis_name="s")

    @functools.partial(
        pl.kernel,
        out_type=jax.ShapeDtypeStruct((_NC, NPAD, H), jnp.float32),
        mesh=mesh,
        scratch_types=[
            pltpu.VMEM((NCHUNK, _CHUNK), jnp.int32),
            pltpu.VMEM((NCHUNK, _CHUNK), jnp.int32),
            [pltpu.VMEM((_CHUNK, H), jnp.float32)] * 2,
            [pltpu.SemaphoreType.DMA] * 2,
            pltpu.SemaphoreType.DMA,
            pltpu.VMEM_SHARED((NPAD, H), jnp.float32),
            pltpu.VMEM_SHARED((NPAD, H), jnp.float32),
        ],
        compiler_params=pltpu.CompilerParams(use_tc_tiling_on_sc=False),
    )
    def msg_kernel(hs_hbm, src_hbm, dst_hbm, zeros_hbm, out_hbm,
                   sidx, didx, rows, ssems, gsem, acc, hsc):
        cid = lax.axis_index("c")
        sid = lax.axis_index("s")
        wid = sid * _NC + cid
        r0 = sid * rpt

        pltpu.sync_copy(src_hbm.at[wid], sidx)
        pltpu.sync_copy(dst_hbm.at[wid], didx)

        pltpu.sync_copy(hs_hbm.at[pl.ds(r0, rpt)], hsc.at[pl.ds(r0, rpt)])

        @pl.when(cid == 0)
        def _():
            pltpu.sync_copy(hs_hbm.at[pl.ds(r0, rpt)],
                            acc.at[pl.ds(r0, rpt)])

        @pl.when(cid != 0)
        def _():
            pltpu.sync_copy(zeros_hbm, acc.at[pl.ds(r0, rpt)])

        plsc.subcore_barrier()

        def gather(j, b):
            pltpu.async_copy(hsc.at[sidx.at[j]], rows[b], gsem).wait()

        def scatter_start(j, b):
            pltpu.async_copy(rows[b], acc.at[didx.at[j]], ssems[b],
                             add=True)

        def scatter_wait(j, b):
            pltpu.make_async_copy(rows[b], acc.at[didx.at[j]],
                                  ssems[b]).wait()

        for b in range(2):
            gather(b, b)
            scatter_start(b, b)

        def body(j, carry):
            for b in range(2):
                chunk = j + b
                scatter_wait(chunk - 2, b)
                gather(chunk, b)
                scatter_start(chunk, b)
            return carry

        lax.fori_loop(1, NCHUNK // 2, lambda i, c: body(i * 2, c), 0,
                      unroll=False)
        for b in range(2):
            scatter_wait(NCHUNK - 2 + b, b)
        plsc.subcore_barrier()
        pltpu.sync_copy(acc.at[pl.ds(r0, rpt)],
                        out_hbm.at[cid, pl.ds(r0, rpt)])

    return msg_kernel


def _dis_from_deg(d0_ref, d1_ref):
    deg = (d0_ref[...] + d1_ref[...])[:, 0:1] + 1.0
    return lax.rsqrt(deg)


def _tc_first(x_ref, w_ref, d0_ref, d1_ref, o_ref):
    dis = _dis_from_deg(d0_ref, d1_ref)
    h = jnp.dot(x_ref[...], w_ref[...], preferred_element_type=jnp.float32)
    o_ref[...] = h * dis


def _tc_mid(a0_ref, a1_ref, d0_ref, d1_ref, w_ref, b_ref, o_ref):
    dis = _dis_from_deg(d0_ref, d1_ref)
    pre = (a0_ref[...] + a1_ref[...]) * dis + b_ref[...]
    act = jnp.maximum(pre, 0.0)
    h = jnp.dot(act, w_ref[...], preferred_element_type=jnp.float32)
    o_ref[...] = h * dis


def _tc_final(a0_ref, a1_ref, d0_ref, d1_ref, b_ref, batch_ref,
              lw_ref, lb_ref, o_ref):
    npad = a0_ref.shape[0]
    dis = _dis_from_deg(d0_ref, d1_ref)
    h3 = (a0_ref[...] + a1_ref[...]) * dis + b_ref[...]
    seg = lax.broadcasted_iota(jnp.int32, (1, _G), 1)
    m = (batch_ref[...] == seg).astype(jnp.float32)
    psum = lax.dot_general(m, h3, (((0,), (0,)), ((), ())),
                           preferred_element_type=jnp.float32)
    cnt = lax.dot_general(m, jnp.ones((npad, 1), jnp.float32),
                          (((0,), (0,)), ((), ())),
                          preferred_element_type=jnp.float32)
    pooled = psum / jnp.maximum(cnt, 1.0)
    o_ref[...] = (jnp.dot(pooled, lw_ref[...],
                          preferred_element_type=jnp.float32) + lb_ref[...])


def kernel(x, edge_index, batch, W1, b1, W2, b2, W3, b3, lin_W, lin_b):
    N, F = x.shape
    H = W1.shape[1]
    C = lin_W.shape[1]
    E = edge_index.shape[1]

    NCHUNK = -(-E // (_NW * _CHUNK))
    NCHUNK = -(-NCHUNK // _NB) * _NB
    EPAD = _NW * NCHUNK * _CHUNK
    NPAD = -(-(N + 1) // (_NS * 16)) * (_NS * 16)
    rpt = NPAD // _NS

    src = edge_index[0]
    dst = edge_index[1]
    epad = EPAD - E
    srcp = jnp.concatenate(
        [src, jnp.zeros((epad,), jnp.int32)]).reshape(_NW, NCHUNK, _CHUNK)
    dstp = jnp.concatenate(
        [dst, jnp.full((epad,), N, jnp.int32)]).reshape(_NW, NCHUNK, _CHUNK)
    xp = jnp.zeros((NPAD, F), jnp.float32).at[:N].set(x)
    zeros_h = jnp.zeros((rpt, H), jnp.float32)
    zeros_d = jnp.zeros((rpt, _DW), jnp.float32)
    ones_d = jnp.ones((_CHUNK, _DW), jnp.float32)
    batchp = jnp.concatenate(
        [batch, jnp.full((NPAD - N,), _G, jnp.int32)]).reshape(NPAD, 1)
    b1r = b1.reshape(1, H)
    b2r = b2.reshape(1, H)
    b3r = b3.reshape(1, H)
    lbr = lin_b.reshape(1, C)

    deg_kernel = _make_deg_kernel(NPAD, NCHUNK)
    msg_kernel = _make_msg_kernel(NPAD, H, NCHUNK)

    degp = deg_kernel(dstp, ones_d, zeros_d)
    d0, d1 = degp[0], degp[1]

    h1s = pl.pallas_call(
        _tc_first,
        out_shape=jax.ShapeDtypeStruct((NPAD, H), jnp.float32),
    )(xp, W1, d0, d1)

    acc1 = msg_kernel(h1s, srcp, dstp, zeros_h)
    h2s = pl.pallas_call(
        _tc_mid,
        out_shape=jax.ShapeDtypeStruct((NPAD, H), jnp.float32),
    )(acc1[0], acc1[1], d0, d1, W2, b1r)

    acc2 = msg_kernel(h2s, srcp, dstp, zeros_h)
    h3s = pl.pallas_call(
        _tc_mid,
        out_shape=jax.ShapeDtypeStruct((NPAD, H), jnp.float32),
    )(acc2[0], acc2[1], d0, d1, W3, b2r)

    acc3 = msg_kernel(h3s, srcp, dstp, zeros_h)
    logits = pl.pallas_call(
        _tc_final,
        out_shape=jax.ShapeDtypeStruct((_G, C), jnp.float32),
    )(acc3[0], acc3[1], d0, d1, b3r, batchp, lin_W, lbr)

    return logits

# --- scband reference (transcript-rebuilt; emitter-appended) ---
"""Pipeline reference for scband-gcn-38491496907229 (READ-ONLY COPY).

The authoritative reference and input builder live on the scoring server;
editing this copy changes nothing except your own understanding.
"""

import jax, jax.numpy as jnp
import numpy as np

N = 10000
E = 320000
F_IN = 128
H = 64
C = 10
G = 64


def setup_inputs(seed: int = 0) -> dict:
    key = jax.random.key(seed)
    ks = jax.random.split(key, 12)
    x = jax.random.normal(ks[0], (N, F_IN), dtype=jnp.float32)
    edge_index = jax.random.randint(ks[1], (2, E), 0, N, dtype=jnp.int32)
    batch = jnp.sort(jax.random.randint(ks[2], (N,), 0, G, dtype=jnp.int32))
    W1 = jax.random.normal(ks[3], (F_IN, H), dtype=jnp.float32) * 0.05
    b1 = jnp.zeros((H,), dtype=jnp.float32)
    W2 = jax.random.normal(ks[4], (H, H), dtype=jnp.float32) * 0.05
    b2 = jnp.zeros((H,), dtype=jnp.float32)
    W3 = jax.random.normal(ks[5], (H, H), dtype=jnp.float32) * 0.05
    b3 = jnp.zeros((H,), dtype=jnp.float32)
    lin_W = jax.random.normal(ks[6], (H, C), dtype=jnp.float32) * 0.05
    lin_b = jnp.zeros((C,), dtype=jnp.float32)
    return {"x": x, "edge_index": edge_index, "batch": batch,
            "W1": W1, "b1": b1, "W2": W2, "b2": b2, "W3": W3, "b3": b3,
            "lin_W": lin_W, "lin_b": lin_b}


def _gcn_norm(edge_index):
    # add self loops, symmetric normalization (PyG GCNConv default)
    loop = jnp.arange(N, dtype=edge_index.dtype)
    src = jnp.concatenate([edge_index[0], loop])
    dst = jnp.concatenate([edge_index[1], loop])
    ones = jnp.ones_like(src, dtype=jnp.float32)
    deg = jax.ops.segment_sum(ones, dst, num_segments=N)
    deg_inv_sqrt = jnp.where(deg > 0, deg ** -0.5, 0.0)
    norm = deg_inv_sqrt[src] * deg_inv_sqrt[dst]
    return src, dst, norm


def _gcn_conv(x, W, b, src, dst, norm):
    h = x @ W
    msg = h[src] * norm[:, None]
    out = jax.ops.segment_sum(msg, dst, num_segments=N)
    return out + b


def _global_mean_pool(x, batch):
    s = jax.ops.segment_sum(x, batch, num_segments=G)
    cnt = jax.ops.segment_sum(jnp.ones((x.shape[0],), dtype=x.dtype), batch, num_segments=G)
    cnt = jnp.maximum(cnt, 1.0)
    return s / cnt[:, None]


def reference(x, edge_index, batch, W1, b1, W2, b2, W3, b3, lin_W, lin_b):
    src, dst, norm = _gcn_norm(edge_index)
    h = _gcn_conv(x, W1, b1, src, dst, norm)
    h = jax.nn.relu(h)
    h = _gcn_conv(h, W2, b2, src, dst, norm)
    h = jax.nn.relu(h)
    h = _gcn_conv(h, W3, b3, src, dst, norm)
    pooled = _global_mean_pool(h, batch)
    # F.dropout in eval mode -> identity
    logits = pooled @ lin_W + lin_b
    return logits

if __name__ == "__main__":
    import jax
    _d = setup_inputs()
    print(jax.jit(kernel)(*tuple(_d.values())))

</pallas_src>

<mosaic_0001>
#map = affine_map<(d0, d1) -> (0, 0)>
#map1 = affine_map<(d0, d1) -> (0, 0, 0)>
module attributes {stable_mosaic.version = 14 : i64} {
  func.func @msg_kernel(%arg0: i32, %arg1: i32, %arg2: memref<10240x64xf32, #tpu.memory_space<hbm>>, %arg3: memref<32x80x128xi32, #tpu.memory_space<hbm>>, %arg4: memref<32x80x128xi32, #tpu.memory_space<hbm>>, %arg5: memref<640x64xf32, #tpu.memory_space<hbm>>, %arg6: memref<2x10240x64xf32, #tpu.memory_space<hbm>>, %arg7: memref<80x128xi32, #tpu.memory_space<vmem>>, %arg8: memref<80x128xi32, #tpu.memory_space<vmem>>, %arg9: memref<128x64xf32, #tpu.memory_space<vmem>>, %arg10: memref<128x64xf32, #tpu.memory_space<vmem>>, %arg11: memref<!tpu.dma_semaphore, #tpu.memory_space<semaphore_mem>>, %arg12: memref<!tpu.dma_semaphore, #tpu.memory_space<semaphore_mem>>, %arg13: memref<!tpu.dma_semaphore, #tpu.memory_space<semaphore_mem>>, %arg14: memref<10240x64xf32, #tpu.memory_space<vmem_shared>>, %arg15: memref<10240x64xf32, #tpu.memory_space<vmem_shared>>) attributes {dimension_semantics = [#tpu.dimension_semantics<core_parallel>, #tpu.dimension_semantics<subcore_parallel>], iteration_bounds = array<i64: 2, 16>, scalar_prefetch = 0 : i64, scratch_operands = 9 : i64, tpu.core_type = #tpu.core_type<sc_vector_subcore>, window_params = [{transform_indices = #map}, {transform_indices = #map1}, {transform_indices = #map1}, {transform_indices = #map}, {transform_indices = #map1}]} {
    %mul3A = arith.constant 2 : i32
    %mul3A_0 = arith.muli %arg1, %mul3A : i32
    %add3A = arith.addi %mul3A_0, %arg0 : i32
    %mul3A_1 = arith.constant 640 : i32
    %mul3A_2 = arith.muli %arg1, %mul3A_1 : i32
    "tpu.region"() ({
      %run_scoped3A = tpu.sem_alloc : memref<!tpu.dma_semaphore, #tpu.memory_space<semaphore_mem>>
      %dma_start3A_69 = arith.constant 0 : i32
      %dma_start3A_70 = arith.constant 0 : i32
      %dma_start3A_71 = tpu.memref_slice %arg3[%add3A, %dma_start3A_69, %dma_start3A_70] : memref<32x80x128xi32, #tpu.memory_space<hbm>> -> memref<1x80x128xi32, #tpu.memory_space<hbm>>
      %dma_start3A_72 = tpu.memref_squeeze %dma_start3A_71 : memref<1x80x128xi32, #tpu.memory_space<hbm>> -> memref<80x128xi32, #tpu.memory_space<hbm>>
      %dma_start3A_73 = arith.constant 0 : i32
      %dma_start3A_74 = arith.constant 0 : i32
      %dma_start3A_75 = tpu.memref_slice %arg3[%add3A, %dma_start3A_73, %dma_start3A_74] : memref<32x80x128xi32, #tpu.memory_space<hbm>> -> memref<1x80x128xi32, #tpu.memory_space<hbm>>
      %dma_start3A_76 = tpu.memref_squeeze %dma_start3A_75 : memref<1x80x128xi32, #tpu.memory_space<hbm>> -> memref<80x128xi32, #tpu.memory_space<hbm>>
      tpu.enqueue_dma source(%dma_start3A_76 : memref<80x128xi32, #tpu.memory_space<hbm>>) target(%arg7 : memref<80x128xi32, #tpu.memory_space<vmem>>) target_semaphore(%run_scoped3A : memref<!tpu.dma_semaphore, #tpu.memory_space<semaphore_mem>>)
      %dma_wait3A_77 = arith.constant 0 : i32
      %dma_wait3A_78 = arith.constant 0 : i32
      %dma_wait3A_79 = tpu.memref_slice %arg3[%add3A, %dma_wait3A_77, %dma_wait3A_78] : memref<32x80x128xi32, #tpu.memory_space<hbm>> -> memref<1x80x128xi32, #tpu.memory_space<hbm>>
      %dma_wait3A_80 = tpu.memref_squeeze %dma_wait3A_79 : memref<1x80x128xi32, #tpu.memory_space<hbm>> -> memref<80x128xi32, #tpu.memory_space<hbm>>
      %dma_wait3A_81 = arith.constant 0 : i32
      %dma_wait3A_82 = arith.constant 0 : i32
      %dma_wait3A_83 = tpu.memref_slice %arg3[%add3A, %dma_wait3A_81, %dma_wait3A_82] : memref<32x80x128xi32, #tpu.memory_space<hbm>> -> memref<1x80x128xi32, #tpu.memory_space<hbm>>
      %dma_wait3A_84 = tpu.memref_squeeze %dma_wait3A_83 : memref<1x80x128xi32, #tpu.memory_space<hbm>> -> memref<80x128xi32, #tpu.memory_space<hbm>>
      tpu.wait_dma2 semaphore(%run_scoped3A : memref<!tpu.dma_semaphore, #tpu.memory_space<semaphore_mem>>) src(%dma_wait3A_84 : memref<80x128xi32, #tpu.memory_space<hbm>>) dst(%arg7 : memref<80x128xi32, #tpu.memory_space<vmem>>)
      tpu.yield
    }) : () -> ()
    "tpu.region"() ({
      %run_scoped3A = tpu.sem_alloc : memref<!tpu.dma_semaphore, #tpu.memory_space<semaphore_mem>>
      %dma_start3A_69 = arith.constant 0 : i32
      %dma_start3A_70 = arith.constant 0 : i32
      %dma_start3A_71 = tpu.memref_slice %arg4[%add3A, %dma_start3A_69, %dma_start3A_70] : memref<32x80x128xi32, #tpu.memory_space<hbm>> -> memref<1x80x128xi32, #tpu.memory_space<hbm>>
      %dma_start3A_72 = tpu.memref_squeeze %dma_start3A_71 : memref<1x80x128xi32, #tpu.memory_space<hbm>> -> memref<80x128xi32, #tpu.memory_space<hbm>>
      %dma_start3A_73 = arith.constant 0 : i32
      %dma_start3A_74 = arith.constant 0 : i32
      %dma_start3A_75 = tpu.memref_slice %arg4[%add3A, %dma_start3A_73, %dma_start3A_74] : memref<32x80x128xi32, #tpu.memory_space<hbm>> -> memref<1x80x128xi32, #tpu.memory_space<hbm>>
      %dma_start3A_76 = tpu.memref_squeeze %dma_start3A_75 : memref<1x80x128xi32, #tpu.memory_space<hbm>> -> memref<80x128xi32, #tpu.memory_space<hbm>>
      tpu.enqueue_dma source(%dma_start3A_76 : memref<80x128xi32, #tpu.memory_space<hbm>>) target(%arg8 : memref<80x128xi32, #tpu.memory_space<vmem>>) target_semaphore(%run_scoped3A : memref<!tpu.dma_semaphore, #tpu.memory_space<semaphore_mem>>)
      %dma_wait3A_77 = arith.constant 0 : i32
      %dma_wait3A_78 = arith.constant 0 : i32
      %dma_wait3A_79 = tpu.memref_slice %arg4[%add3A, %dma_wait3A_77, %dma_wait3A_78] : memref<32x80x128xi32, #tpu.memory_space<hbm>> -> memref<1x80x128xi32, #tpu.memory_space<hbm>>
      %dma_wait3A_80 = tpu.memref_squeeze %dma_wait3A_79 : memref<1x80x128xi32, #tpu.memory_space<hbm>> -> memref<80x128xi32, #tpu.memory_space<hbm>>
      %dma_wait3A_81 = arith.constant 0 : i32
      %dma_wait3A_82 = arith.constant 0 : i32
      %dma_wait3A_83 = tpu.memref_slice %arg4[%add3A, %dma_wait3A_81, %dma_wait3A_82] : memref<32x80x128xi32, #tpu.memory_space<hbm>> -> memref<1x80x128xi32, #tpu.memory_space<hbm>>
      %dma_wait3A_84 = tpu.memref_squeeze %dma_wait3A_83 : memref<1x80x128xi32, #tpu.memory_space<hbm>> -> memref<80x128xi32, #tpu.memory_space<hbm>>
      tpu.wait_dma2 semaphore(%run_scoped3A : memref<!tpu.dma_semaphore, #tpu.memory_space<semaphore_mem>>) src(%dma_wait3A_84 : memref<80x128xi32, #tpu.memory_space<hbm>>) dst(%arg8 : memref<80x128xi32, #tpu.memory_space<vmem>>)
      tpu.yield
    }) : () -> ()
    "tpu.region"() ({
      %run_scoped3A = tpu.sem_alloc : memref<!tpu.dma_semaphore, #tpu.memory_space<semaphore_mem>>
      %dma_start3A_69 = arith.constant 0 : i32
      %dma_start3A_70 = tpu.memref_slice %arg15[%mul3A_2, %dma_start3A_69] : memref<10240x64xf32, #tpu.memory_space<vmem_shared>> -> memref<640x64xf32, #tpu.memory_space<vmem_shared>>
      %dma_start3A_71 = arith.constant 0 : i32
      %dma_start3A_72 = tpu.memref_slice %arg2[%mul3A_2, %dma_start3A_71] : memref<10240x64xf32, #tpu.memory_space<hbm>> -> memref<640x64xf32, #tpu.memory_space<hbm>>
      tpu.enqueue_dma source(%dma_start3A_72 : memref<640x64xf32, #tpu.memory_space<hbm>>) target(%dma_start3A_70 : memref<640x64xf32, #tpu.memory_space<vmem_shared>>) target_semaphore(%run_scoped3A : memref<!tpu.dma_semaphore, #tpu.memory_space<semaphore_mem>>)
      %dma_wait3A_73 = arith.constant 0 : i32
      %dma_wait3A_74 = tpu.memref_slice %arg15[%mul3A_2, %dma_wait3A_73] : memref<10240x64xf32, #tpu.memory_space<vmem_shared>> -> memref<640x64xf32, #tpu.memory_space<vmem_shared>>
      %dma_wait3A_75 = arith.constant 0 : i32
      %dma_wait3A_76 = tpu.memref_slice %arg2[%mul3A_2, %dma_wait3A_75] : memref<10240x64xf32, #tpu.memory_space<hbm>> -> memref<640x64xf32, #tpu.memory_space<hbm>>
      tpu.wait_dma2 semaphore(%run_scoped3A : memref<!tpu.dma_semaphore, #tpu.memory_space<semaphore_mem>>) src(%dma_wait3A_76 : memref<640x64xf32, #tpu.memory_space<hbm>>) dst(%dma_wait3A_74 : memref<640x64xf32, #tpu.memory_space<vmem_shared>>)
      tpu.yield
    }) : () -> ()
    %eq3A = arith.constant 0 : i32
    %eq3A_3 = arith.cmpi eq, %arg0, %eq3A : i32
    %convert_element_type3A = arith.extui %eq3A_3 : i1 to i32
    %cond3A = arith.constant 0 : i32
    %cond3A_4 = arith.cmpi ne, %convert_element_type3A, %cond3A : i32
    scf.if %cond3A_4 {
      "tpu.region"() ({
        %run_scoped3A = tpu.sem_alloc : memref<!tpu.dma_semaphore, #tpu.memory_space<semaphore_mem>>
        %dma_start3A_69 = arith.constant 0 : i32
        %dma_start3A_70 = tpu.memref_slice %arg14[%mul3A_2, %dma_start3A_69] : memref<10240x64xf32, #tpu.memory_space<vmem_shared>> -> memref<640x64xf32, #tpu.memory_space<vmem_shared>>
        %dma_start3A_71 = arith.constant 0 : i32
        %dma_start3A_72 = tpu.memref_slice %arg2[%mul3A_2, %dma_start3A_71] : memref<10240x64xf32, #tpu.memory_space<hbm>> -> memref<640x64xf32, #tpu.memory_space<hbm>>
        tpu.enqueue_dma source(%dma_start3A_72 : memref<640x64xf32, #tpu.memory_space<hbm>>) target(%dma_start3A_70 : memref<640x64xf32, #tpu.memory_space<vmem_shared>>) target_semaphore(%run_scoped3A : memref<!tpu.dma_semaphore, #tpu.memory_space<semaphore_mem>>)
        %dma_wait3A_73 = arith.constant 0 : i32
        %dma_wait3A_74 = tpu.memref_slice %arg14[%mul3A_2, %dma_wait3A_73] : memref<10240x64xf32, #tpu.memory_space<vmem_shared>> -> memref<640x64xf32, #tpu.memory_space<vmem_shared>>
        %dma_wait3A_75 = arith.constant 0 : i32
        %dma_wait3A_76 = tpu.memref_slice %arg2[%mul3A_2, %dma_wait3A_75] : memref<10240x64xf32, #tpu.memory_space<hbm>> -> memref<640x64xf32, #tpu.memory_space<hbm>>
        tpu.wait_dma2 semaphore(%run_scoped3A : memref<!tpu.dma_semaphore, #tpu.memory_space<semaphore_mem>>) src(%dma_wait3A_76 : memref<640x64xf32, #tpu.memory_space<hbm>>) dst(%dma_wait3A_74 : memref<640x64xf32, #tpu.memory_space<vmem_shared>>)
        tpu.yield
      }) : () -> ()
    } else {
    }
    %ne3A = arith.constant 0 : i32
    %ne3A_5 = arith.cmpi ne, %arg0, %ne3A : i32
    %convert_element_type3A_6 = arith.extui %ne3A_5 : i1 to i32
    %cond3A_7 = arith.constant 0 : i32
    %cond3A_8 = arith.cmpi ne, %convert_element_type3A_6, %cond3A_7 : i32
    scf.if %cond3A_8 {
      "tpu.region"() ({
        %run_scoped3A = tpu.sem_alloc : memref<!tpu.dma_semaphore, #tpu.memory_space<semaphore_mem>>
        %dma_start3A_69 = arith.constant 0 : i32
        %dma_start3A_70 = tpu.memref_slice %arg14[%mul3A_2, %dma_start3A_69] : memref<10240x64xf32, #tpu.memory_space<vmem_shared>> -> memref<640x64xf32, #tpu.memory_space<vmem_shared>>
        tpu.enqueue_dma source(%arg5 : memref<640x64xf32, #tpu.memory_space<hbm>>) target(%dma_start3A_70 : memref<640x64xf32, #tpu.memory_space<vmem_shared>>) target_semaphore(%run_scoped3A : memref<!tpu.dma_semaphore, #tpu.memory_space<semaphore_mem>>)
        %dma_wait3A_71 = arith.constant 0 : i32
        %dma_wait3A_72 = tpu.memref_slice %arg14[%mul3A_2, %dma_wait3A_71] : memref<10240x64xf32, #tpu.memory_space<vmem_shared>> -> memref<640x64xf32, #tpu.memory_space<vmem_shared>>
        tpu.wait_dma2 semaphore(%run_scoped3A : memref<!tpu.dma_semaphore, #tpu.memory_space<semaphore_mem>>) src(%arg5 : memref<640x64xf32, #tpu.memory_space<hbm>>) dst(%dma_wait3A_72 : memref<640x64xf32, #tpu.memory_space<vmem_shared>>)
        tpu.yield
      }) : () -> ()
    } else {
    }
    %barrier3A = arith.constant 0 : index
    tpu.barrier barrier_id(%barrier3A)
    %dma_start3A = arith.constant 0 : i32
    %dma_start3A_9 = arith.constant 0 : i32
    %dma_start3A_10 = tpu.memref_slice %arg7[%dma_start3A, %dma_start3A_9] : memref<80x128xi32, #tpu.memory_space<vmem>> -> memref<1x128xi32, #tpu.memory_space<vmem>>
    %dma_start3A_11 = tpu.memref_squeeze %dma_start3A_10 : memref<1x128xi32, #tpu.memory_space<vmem>> -> memref<128xi32, #tpu.memory_space<vmem>>
    %dma_start3A_12 = arith.constant 0 : i32
    %dma_start3A_13 = arith.constant 0 : i32
    %dma_start3A_14 = tpu.memref_slice %arg15[%dma_start3A_12, %dma_start3A_13] : memref<10240x64xf32, #tpu.memory_space<vmem_shared>> -> memref<10240x64xf32, #tpu.memory_space<vmem_shared>>
    tpu.enqueue_indirect_dma source(%dma_start3A_14 : memref<10240x64xf32, #tpu.memory_space<vmem_shared>>) target(%arg9 : memref<128x64xf32, #tpu.memory_space<vmem>>) offsets(%dma_start3A_11 : memref<128xi32, #tpu.memory_space<vmem>>) semaphore(%arg13 : memref<!tpu.dma_semaphore, #tpu.memory_space<semaphore_mem>>)
    %dma_wait3A = arith.constant 0 : i32
    %dma_wait3A_15 = arith.constant 0 : i32
    %dma_wait3A_16 = tpu.memref_slice %arg7[%dma_wait3A, %dma_wait3A_15] : memref<80x128xi32, #tpu.memory_space<vmem>> -> memref<1x128xi32, #tpu.memory_space<vmem>>
    %dma_wait3A_17 = tpu.memref_squeeze %dma_wait3A_16 : memref<1x128xi32, #tpu.memory_space<vmem>> -> memref<128xi32, #tpu.memory_space<vmem>>
    %dma_wait3A_18 = arith.constant 0 : i32
    %dma_wait3A_19 = arith.constant 0 : i32
    %dma_wait3A_20 = tpu.memref_slice %arg15[%dma_wait3A_18, %dma_wait3A_19] : memref<10240x64xf32, #tpu.memory_space<vmem_shared>> -> memref<10240x64xf32, #tpu.memory_space<vmem_shared>>
    tpu.wait_indirect_dma semaphore(%arg13 : memref<!tpu.dma_semaphore, #tpu.memory_space<semaphore_mem>>) src(%dma_wait3A_20 : memref<10240x64xf32, #tpu.memory_space<vmem_shared>>) dst(%arg9 : memref<128x64xf32, #tpu.memory_space<vmem>>)
    %dma_start3A_21 = arith.constant 0 : i32
    %dma_start3A_22 = arith.constant 0 : i32
    %dma_start3A_23 = tpu.memref_slice %arg8[%dma_start3A_21, %dma_start3A_22] : memref<80x128xi32, #tpu.memory_space<vmem>> -> memref<1x128xi32, #tpu.memory_space<vmem>>
    %dma_start3A_24 = tpu.memref_squeeze %dma_start3A_23 : memref<1x128xi32, #tpu.memory_space<vmem>> -> memref<128xi32, #tpu.memory_space<vmem>>
    %dma_start3A_25 = arith.constant 0 : i32
    %dma_start3A_26 = arith.constant 0 : i32
    %dma_start3A_27 = tpu.memref_slice %arg14[%dma_start3A_25, %dma_start3A_26] : memref<10240x64xf32, #tpu.memory_space<vmem_shared>> -> memref<10240x64xf32, #tpu.memory_space<vmem_shared>>
    tpu.enqueue_indirect_dma source(%arg9 : memref<128x64xf32, #tpu.memory_space<vmem>>) target(%dma_start3A_27 : memref<10240x64xf32, #tpu.memory_space<vmem_shared>>) offsets(%dma_start3A_24 : memref<128xi32, #tpu.memory_space<vmem>>) semaphore(%arg11 : memref<!tpu.dma_semaphore, #tpu.memory_space<semaphore_mem>>) {add = true}
    %dma_start3A_28 = arith.constant 1 : i32
    %dma_start3A_29 = arith.constant 0 : i32
    %dma_start3A_30 = tpu.memref_slice %arg7[%dma_start3A_28, %dma_start3A_29] : memref<80x128xi32, #tpu.memory_space<vmem>> -> memref<1x128xi32, #tpu.memory_space<vmem>>
    %dma_start3A_31 = tpu.memref_squeeze %dma_start3A_30 : memref<1x128xi32, #tpu.memory_space<vmem>> -> memref<128xi32, #tpu.memory_space<vmem>>
    %dma_start3A_32 = arith.constant 0 : i32
    %dma_start3A_33 = arith.constant 0 : i32
    %dma_start3A_34 = tpu.memref_slice %arg15[%dma_start3A_32, %dma_start3A_33] : memref<10240x64xf32, #tpu.memory_space<vmem_shared>> -> memref<10240x64xf32, #tpu.memory_space<vmem_shared>>
    tpu.enqueue_indirect_dma source(%dma_start3A_34 : memref<10240x64xf32, #tpu.memory_space<vmem_shared>>) target(%arg10 : memref<128x64xf32, #tpu.memory_space<vmem>>) offsets(%dma_start3A_31 : memref<128xi32, #tpu.memory_space<vmem>>) semaphore(%arg13 : memref<!tpu.dma_semaphore, #tpu.memory_space<semaphore_mem>>)
    %dma_wait3A_35 = arith.constant 1 : i32
    %dma_wait3A_36 = arith.constant 0 : i32
    %dma_wait3A_37 = tpu.memref_slice %arg7[%dma_wait3A_35, %dma_wait3A_36] : memref<80x128xi32, #tpu.memory_space<vmem>> -> memref<1x128xi32, #tpu.memory_space<vmem>>
    %dma_wait3A_38 = tpu.memref_squeeze %dma_wait3A_37 : memref<1x128xi32, #tpu.memory_space<vmem>> -> memref<128xi32, #tpu.memory_space<vmem>>
    %dma_wait3A_39 = arith.constant 0 : i32
    %dma_wait3A_40 = arith.constant 0 : i32
    %dma_wait3A_41 = tpu.memref_slice %arg15[%dma_wait3A_39, %dma_wait3A_40] : memref<10240x64xf32, #tpu.memory_space<vmem_shared>> -> memref<10240x64xf32, #tpu.memory_space<vmem_shared>>
    tpu.wait_indirect_dma semaphore(%arg13 : memref<!tpu.dma_semaphore, #tpu.memory_space<semaphore_mem>>) src(%dma_wait3A_41 : memref<10240x64xf32, #tpu.memory_space<vmem_shared>>) dst(%arg10 : memref<128x64xf32, #tpu.memory_space<vmem>>)
    %dma_start3A_42 = arith.constant 1 : i32
    %dma_start3A_43 = arith.constant 0 : i32
    %dma_start3A_44 = tpu.memref_slice %arg8[%dma_start3A_42, %dma_start3A_43] : memref<80x128xi32, #tpu.memory_space<vmem>> -> memref<1x128xi32, #tpu.memory_space<vmem>>
    %dma_start3A_45 = tpu.memref_squeeze %dma_start3A_44 : memref<1x128xi32, #tpu.memory_space<vmem>> -> memref<128xi32, #tpu.memory_space<vmem>>
    %dma_start3A_46 = arith.constant 0 : i32
    %dma_start3A_47 = arith.constant 0 : i32
    %dma_start3A_48 = tpu.memref_slice %arg14[%dma_start3A_46, %dma_start3A_47] : memref<10240x64xf32, #tpu.memory_space<vmem_shared>> -> memref<10240x64xf32, #tpu.memory_space<vmem_shared>>
    tpu.enqueue_indirect_dma source(%arg10 : memref<128x64xf32, #tpu.memory_space<vmem>>) target(%dma_start3A_48 : memref<10240x64xf32, #tpu.memory_space<vmem_shared>>) offsets(%dma_start3A_45 : memref<128xi32, #tpu.memory_space<vmem>>) semaphore(%arg12 : memref<!tpu.dma_semaphore, #tpu.memory_space<semaphore_mem>>) {add = true}
    %scan3A = arith.constant 0 : i32
    %scan3A_49 = arith.constant 1 : i32
    %scan3A_50 = arith.constant 39 : i32
    %scan3A_51 = arith.addi %scan3A_49, %scan3A_50 : i32
    %scan3A_52 = arith.constant 1 : i32
    scf.for %scan3A_69 = %scan3A_49 to %scan3A_51 step %scan3A_52  : i32 {
      %mul3A_70 = arith.constant 2 : i32
      %mul3A_71 = arith.muli %scan3A_69, %mul3A_70 : i32
      %add3A_72 = arith.constant 0 : i32
      %add3A_73 = arith.addi %mul3A_71, %add3A_72 : i32
      %sub3A = arith.constant 2 : i32
      %sub3A_74 = arith.subi %add3A_73, %sub3A : i32
      %dma_wait3A_75 = arith.constant 0 : i32
      %dma_wait3A_76 = tpu.memref_slice %arg8[%sub3A_74, %dma_wait3A_75] : memref<80x128xi32, #tpu.memory_space<vmem>> -> memref<1x128xi32, #tpu.memory_space<vmem>>
      %dma_wait3A_77 = tpu.memref_squeeze %dma_wait3A_76 : memref<1x128xi32, #tpu.memory_space<vmem>> -> memref<128xi32, #tpu.memory_space<vmem>>
      %dma_wait3A_78 = arith.constant 0 : i32
      %dma_wait3A_79 = arith.constant 0 : i32
      %dma_wait3A_80 = tpu.memref_slice %arg14[%dma_wait3A_78, %dma_wait3A_79] : memref<10240x64xf32, #tpu.memory_space<vmem_shared>> -> memref<10240x64xf32, #tpu.memory_space<vmem_shared>>
      tpu.wait_indirect_dma semaphore(%arg11 : memref<!tpu.dma_semaphore, #tpu.memory_space<semaphore_mem>>) src(%arg9 : memref<128x64xf32, #tpu.memory_space<vmem>>) dst(%dma_wait3A_80 : memref<10240x64xf32, #tpu.memory_space<vmem_shared>>)
      %dma_start3A_81 = arith.constant 0 : i32
      %dma_start3A_82 = tpu.memref_slice %arg7[%add3A_73, %dma_start3A_81] : memref<80x128xi32, #tpu.memory_space<vmem>> -> memref<1x128xi32, #tpu.memory_space<vmem>>
      %dma_start3A_83 = tpu.memref_squeeze %dma_start3A_82 : memref<1x128xi32, #tpu.memory_space<vmem>> -> memref<128xi32, #tpu.memory_space<vmem>>
      %dma_start3A_84 = arith.constant 0 : i32
      %dma_start3A_85 = arith.constant 0 : i32
      %dma_start3A_86 = tpu.memref_slice %arg15[%dma_start3A_84, %dma_start3A_85] : memref<10240x64xf32, #tpu.memory_space<vmem_shared>> -> memref<10240x64xf32, #tpu.memory_space<vmem_shared>>
      tpu.enqueue_indirect_dma source(%dma_start3A_86 : memref<10240x64xf32, #tpu.memory_space<vmem_shared>>) target(%arg9 : memref<128x64xf32, #tpu.memory_space<vmem>>) offsets(%dma_start3A_83 : memref<128xi32, #tpu.memory_space<vmem>>) semaphore(%arg13 : memref<!tpu.dma_semaphore, #tpu.memory_space<semaphore_mem>>)
      %dma_wait3A_87 = arith.constant 0 : i32
      %dma_wait3A_88 = tpu.memref_slice %arg7[%add3A_73, %dma_wait3A_87] : memref<80x128xi32, #tpu.memory_space<vmem>> -> memref<1x128xi32, #tpu.memory_space<vmem>>
      %dma_wait3A_89 = tpu.memref_squeeze %dma_wait3A_88 : memref<1x128xi32, #tpu.memory_space<vmem>> -> memref<128xi32, #tpu.memory_space<vmem>>
      %dma_wait3A_90 = arith.constant 0 : i32
      %dma_wait3A_91 = arith.constant 0 : i32
      %dma_wait3A_92 = tpu.memref_slice %arg15[%dma_wait3A_90, %dma_wait3A_91] : memref<10240x64xf32, #tpu.memory_space<vmem_shared>> -> memref<10240x64xf32, #tpu.memory_space<vmem_shared>>
      tpu.wait_indirect_dma semaphore(%arg13 : memref<!tpu.dma_semaphore, #tpu.memory_space<semaphore_mem>>) src(%dma_wait3A_92 : memref<10240x64xf32, #tpu.memory_space<vmem_shared>>) dst(%arg9 : memref<128x64xf32, #tpu.memory_space<vmem>>)
      %dma_start3A_93 = arith.constant 0 : i32
      %dma_start3A_94 = tpu.memref_slice %arg8[%add3A_73, %dma_start3A_93] : memref<80x128xi32, #tpu.memory_space<vmem>> -> memref<1x128xi32, #tpu.memory_space<vmem>>
      %dma_start3A_95 = tpu.memref_squeeze %dma_start3A_94 : memref<1x128xi32, #tpu.memory_space<vmem>> -> memref<128xi32, #tpu.memory_space<vmem>>
      %dma_start3A_96 = arith.constant 0 : i32
      %dma_start3A_97 = arith.constant 0 : i32
      %dma_start3A_98 = tpu.memref_slice %arg14[%dma_start3A_96, %dma_start3A_97] : memref<10240x64xf32, #tpu.memory_space<vmem_shared>> -> memref<10240x64xf32, #tpu.memory_space<vmem_shared>>
      tpu.enqueue_indirect_dma source(%arg9 : memref<128x64xf32, #tpu.memory_space<vmem>>) target(%dma_start3A_98 : memref<10240x64xf32, #tpu.memory_space<vmem_shared>>) offsets(%dma_start3A_95 : memref<128xi32, #tpu.memory_space<vmem>>) semaphore(%arg11 : memref<!tpu.dma_semaphore, #tpu.memory_space<semaphore_mem>>) {add = true}
      %add3A_99 = arith.constant 1 : i32
      %add3A_100 = arith.addi %mul3A_71, %add3A_99 : i32
      %sub3A_101 = arith.constant 2 : i32
      %sub3A_102 = arith.subi %add3A_100, %sub3A_101 : i32
      %dma_wait3A_103 = arith.constant 0 : i32
      %dma_wait3A_104 = tpu.memref_slice %arg8[%sub3A_102, %dma_wait3A_103] : memref<80x128xi32, #tpu.memory_space<vmem>> -> memref<1x128xi32, #tpu.memory_space<vmem>>
      %dma_wait3A_105 = tpu.memref_squeeze %dma_wait3A_104 : memref<1x128xi32, #tpu.memory_space<vmem>> -> memref<128xi32, #tpu.memory_space<vmem>>
      %dma_wait3A_106 = arith.constant 0 : i32
      %dma_wait3A_107 = arith.constant 0 : i32
      %dma_wait3A_108 = tpu.memref_slice %arg14[%dma_wait3A_106, %dma_wait3A_107] : memref<10240x64xf32, #tpu.memory_space<vmem_shared>> -> memref<10240x64xf32, #tpu.memory_space<vmem_shared>>
      tpu.wait_indirect_dma semaphore(%arg12 : memref<!tpu.dma_semaphore, #tpu.memory_space<semaphore_mem>>) src(%arg10 : memref<128x64xf32, #tpu.memory_space<vmem>>) dst(%dma_wait3A_108 : memref<10240x64xf32, #tpu.memory_space<vmem_shared>>)
      %dma_start3A_109 = arith.constant 0 : i32
      %dma_start3A_110 = tpu.memref_slice %arg7[%add3A_100, %dma_start3A_109] : memref<80x128xi32, #tpu.memory_space<vmem>> -> memref<1x128xi32, #tpu.memory_space<vmem>>
      %dma_start3A_111 = tpu.memref_squeeze %dma_start3A_110 : memref<1x128xi32, #tpu.memory_space<vmem>> -> memref<128xi32, #tpu.memory_space<vmem>>
      %dma_start3A_112 = arith.constant 0 : i32
      %dma_start3A_113 = arith.constant 0 : i32
      %dma_start3A_114 = tpu.memref_slice %arg15[%dma_start3A_112, %dma_start3A_113] : memref<10240x64xf32, #tpu.memory_space<vmem_shared>> -> memref<10240x64xf32, #tpu.memory_space<vmem_shared>>
      tpu.enqueue_indirect_dma source(%dma_start3A_114 : memref<10240x64xf32, #tpu.memory_space<vmem_shared>>) target(%arg10 : memref<128x64xf32, #tpu.memory_space<vmem>>) offsets(%dma_start3A_111 : memref<128xi32, #tpu.memory_space<vmem>>) semaphore(%arg13 : memref<!tpu.dma_semaphore, #tpu.memory_space<semaphore_mem>>)
      %dma_wait3A_115 = arith.constant 0 : i32
      %dma_wait3A_116 = tpu.memref_slice %arg7[%add3A_100, %dma_wait3A_115] : memref<80x128xi32, #tpu.memory_space<vmem>> -> memref<1x128xi32, #tpu.memory_space<vmem>>
      %dma_wait3A_117 = tpu.memref_squeeze %dma_wait3A_116 : memref<1x128xi32, #tpu.memory_space<vmem>> -> memref<128xi32, #tpu.memory_space<vmem>>
      %dma_wait3A_118 = arith.constant 0 : i32
      %dma_wait3A_119 = arith.constant 0 : i32
      %dma_wait3A_120 = tpu.memref_slice %arg15[%dma_wait3A_118, %dma_wait3A_119] : memref<10240x64xf32, #tpu.memory_space<vmem_shared>> -> memref<10240x64xf32, #tpu.memory_space<vmem_shared>>
      tpu.wait_indirect_dma semaphore(%arg13 : memref<!tpu.dma_semaphore, #tpu.memory_space<semaphore_mem>>) src(%dma_wait3A_120 : memref<10240x64xf32, #tpu.memory_space<vmem_shared>>) dst(%arg10 : memref<128x64xf32, #tpu.memory_space<vmem>>)
      %dma_start3A_121 = arith.constant 0 : i32
      %dma_start3A_122 = tpu.memref_slice %arg8[%add3A_100, %dma_start3A_121] : memref<80x128xi32, #tpu.memory_space<vmem>> -> memref<1x128xi32, #tpu.memory_space<vmem>>
      %dma_start3A_123 = tpu.memref_squeeze %dma_start3A_122 : memref<1x128xi32, #tpu.memory_space<vmem>> -> memref<128xi32, #tpu.memory_space<vmem>>
      %dma_start3A_124 = arith.constant 0 : i32
      %dma_start3A_125 = arith.constant 0 : i32
      %dma_start3A_126 = tpu.memref_slice %arg14[%dma_start3A_124, %dma_start3A_125] : memref<10240x64xf32, #tpu.memory_space<vmem_shared>> -> memref<10240x64xf32, #tpu.memory_space<vmem_shared>>
      tpu.enqueue_indirect_dma source(%arg10 : memref<128x64xf32, #tpu.memory_space<vmem>>) target(%dma_start3A_126 : memref<10240x64xf32, #tpu.memory_space<vmem_shared>>) offsets(%dma_start3A_123 : memref<128xi32, #tpu.memory_space<vmem>>) semaphore(%arg12 : memref<!tpu.dma_semaphore, #tpu.memory_space<semaphore_mem>>) {add = true}
    }
    %scan3A_53 = arith.constant 39 : i32
    %dma_wait3A_54 = arith.constant 78 : i32
    %dma_wait3A_55 = arith.constant 0 : i32
    %dma_wait3A_56 = tpu.memref_slice %arg8[%dma_wait3A_54, %dma_wait3A_55] : memref<80x128xi32, #tpu.memory_space<vmem>> -> memref<1x128xi32, #tpu.memory_space<vmem>>
    %dma_wait3A_57 = tpu.memref_squeeze %dma_wait3A_56 : memref<1x128xi32, #tpu.memory_space<vmem>> -> memref<128xi32, #tpu.memory_space<vmem>>
    %dma_wait3A_58 = arith.constant 0 : i32
    %dma_wait3A_59 = arith.constant 0 : i32
    %dma_wait3A_60 = tpu.memref_slice %arg14[%dma_wait3A_58, %dma_wait3A_59] : memref<10240x64xf32, #tpu.memory_space<vmem_shared>> -> memref<10240x64xf32, #tpu.memory_space<vmem_shared>>
    tpu.wait_indirect_dma semaphore(%arg11 : memref<!tpu.dma_semaphore, #tpu.memory_space<semaphore_mem>>) src(%arg9 : memref<128x64xf32, #tpu.memory_space<vmem>>) dst(%dma_wait3A_60 : memref<10240x64xf32, #tpu.memory_space<vmem_shared>>)
    %dma_wait3A_61 = arith.constant 79 : i32
    %dma_wait3A_62 = arith.constant 0 : i32
    %dma_wait3A_63 = tpu.memref_slice %arg8[%dma_wait3A_61, %dma_wait3A_62] : memref<80x128xi32, #tpu.memory_space<vmem>> -> memref<1x128xi32, #tpu.memory_space<vmem>>
    %dma_wait3A_64 = tpu.memref_squeeze %dma_wait3A_63 : memref<1x128xi32, #tpu.memory_space<vmem>> -> memref<128xi32, #tpu.memory_space<vmem>>
    %dma_wait3A_65 = arith.constant 0 : i32
    %dma_wait3A_66 = arith.constant 0 : i32
    %dma_wait3A_67 = tpu.memref_slice %arg14[%dma_wait3A_65, %dma_wait3A_66] : memref<10240x64xf32, #tpu.memory_space<vmem_shared>> -> memref<10240x64xf32, #tpu.memory_space<vmem_shared>>
    tpu.wait_indirect_dma semaphore(%arg12 : memref<!tpu.dma_semaphore, #tpu.memory_space<semaphore_mem>>) src(%arg10 : memref<128x64xf32, #tpu.memory_space<vmem>>) dst(%dma_wait3A_67 : memref<10240x64xf32, #tpu.memory_space<vmem_shared>>)
    %barrier3A_68 = arith.constant 0 : index
    tpu.barrier barrier_id(%barrier3A_68)
    "tpu.region"() ({
      %run_scoped3A = tpu.sem_alloc : memref<!tpu.dma_semaphore, #tpu.memory_space<semaphore_mem>>
      %dma_start3A_69 = arith.constant 0 : i32
      %dma_start3A_70 = tpu.memref_slice %arg6[%arg0, %mul3A_2, %dma_start3A_69] : memref<2x10240x64xf32, #tpu.memory_space<hbm>> -> memref<1x640x64xf32, #tpu.memory_space<hbm>>
      %dma_start3A_71 = tpu.memref_squeeze %dma_start3A_70 : memref<1x640x64xf32, #tpu.memory_space<hbm>> -> memref<640x64xf32, #tpu.memory_space<hbm>>
      %dma_start3A_72 = arith.constant 0 : i32
      %dma_start3A_73 = tpu.memref_slice %arg14[%mul3A_2, %dma_start3A_72] : memref<10240x64xf32, #tpu.memory_space<vmem_shared>> -> memref<640x64xf32, #tpu.memory_space<vmem_shared>>
      tpu.enqueue_dma source(%dma_start3A_73 : memref<640x64xf32, #tpu.memory_space<vmem_shared>>) target(%dma_start3A_71 : memref<640x64xf32, #tpu.memory_space<hbm>>) target_semaphore(%run_scoped3A : memref<!tpu.dma_semaphore, #tpu.memory_space<semaphore_mem>>)
      %dma_wait3A_74 = arith.constant 0 : i32
      %dma_wait3A_75 = tpu.memref_slice %arg6[%arg0, %mul3A_2, %dma_wait3A_74] : memref<2x10240x64xf32, #tpu.memory_space<hbm>> -> memref<1x640x64xf32, #tpu.memory_space<hbm>>
      %dma_wait3A_76 = tpu.memref_squeeze %dma_wait3A_75 : memref<1x640x64xf32, #tpu.memory_space<hbm>> -> memref<640x64xf32, #tpu.memory_space<hbm>>
      %dma_wait3A_77 = arith.constant 0 : i32
      %dma_wait3A_78 = tpu.memref_slice %arg14[%mul3A_2, %dma_wait3A_77] : memref<10240x64xf32, #tpu.memory_space<vmem_shared>> -> memref<640x64xf32, #tpu.memory_space<vmem_shared>>
      tpu.wait_dma2 semaphore(%run_scoped3A : memref<!tpu.dma_semaphore, #tpu.memory_space<semaphore_mem>>) src(%dma_wait3A_78 : memref<640x64xf32, #tpu.memory_space<vmem_shared>>) dst(%dma_wait3A_76 : memref<640x64xf32, #tpu.memory_space<hbm>>)
      tpu.yield
    }) : () -> ()
    return
  }
}

#map = affine_map<(d0, d1) -> (0, 0, 0)>
#map1 = affine_map<(d0, d1) -> (0, 0)>
module attributes {stable_mosaic.version = 14 : i64} {
  func.func @deg_kernel(%arg0: i32, %arg1: i32, %arg2: memref<32x80x128xi32, #tpu.memory_space<hbm>>, %arg3: memref<128x8xf32, #tpu.memory_space<hbm>>, %arg4: memref<640x8xf32, #tpu.memory_space<hbm>>, %arg5: memref<2x10240x8xf32, #tpu.memory_space<hbm>>, %arg6: memref<80x128xi32, #tpu.memory_space<vmem>>, %arg7: memref<128x8xf32, #tpu.memory_space<vmem>>, %arg8: memref<10240x8xf32, #tpu.memory_space<vmem_shared>>, %arg9: memref<!tpu.dma_semaphore, #tpu.memory_space<semaphore_mem>>) attributes {dimension_semantics = [#tpu.dimension_semantics<core_parallel>, #tpu.dimension_semantics<subcore_parallel>], iteration_bounds = array<i64: 2, 16>, scalar_prefetch = 0 : i64, scratch_operands = 4 : i64, tpu.core_type = #tpu.core_type<sc_vector_subcore>, window_params = [{transform_indices = #map}, {transform_indices = #map1}, {transform_indices = #map1}, {transform_indices = #map}]} {
    %mul3A = arith.constant 2 : i32
    %mul3A_0 = arith.muli %arg1, %mul3A : i32
    %add3A = arith.addi %mul3A_0, %arg0 : i32
    %mul3A_1 = arith.constant 640 : i32
    %mul3A_2 = arith.muli %arg1, %mul3A_1 : i32
    "tpu.region"() ({
      %run_scoped3A = tpu.sem_alloc : memref<!tpu.dma_semaphore, #tpu.memory_space<semaphore_mem>>
      %dma_start3A = arith.constant 0 : i32
      %dma_start3A_15 = tpu.memref_slice %arg8[%mul3A_2, %dma_start3A] : memref<10240x8xf32, #tpu.memory_space<vmem_shared>> -> memref<640x8xf32, #tpu.memory_space<vmem_shared>>
      tpu.enqueue_dma source(%arg4 : memref<640x8xf32, #tpu.memory_space<hbm>>) target(%dma_start3A_15 : memref<640x8xf32, #tpu.memory_space<vmem_shared>>) target_semaphore(%run_scoped3A : memref<!tpu.dma_semaphore, #tpu.memory_space<semaphore_mem>>)
      %dma_wait3A = arith.constant 0 : i32
      %dma_wait3A_16 = tpu.memref_slice %arg8[%mul3A_2, %dma_wait3A] : memref<10240x8xf32, #tpu.memory_space<vmem_shared>> -> memref<640x8xf32, #tpu.memory_space<vmem_shared>>
      tpu.wait_dma2 semaphore(%run_scoped3A : memref<!tpu.dma_semaphore, #tpu.memory_space<semaphore_mem>>) src(%arg4 : memref<640x8xf32, #tpu.memory_space<hbm>>) dst(%dma_wait3A_16 : memref<640x8xf32, #tpu.memory_space<vmem_shared>>)
      tpu.yield
    }) : () -> ()
    "tpu.region"() ({
      %run_scoped3A = tpu.sem_alloc : memref<!tpu.dma_semaphore, #tpu.memory_space<semaphore_mem>>
      tpu.enqueue_dma source(%arg3 : memref<128x8xf32, #tpu.memory_space<hbm>>) target(%arg7 : memref<128x8xf32, #tpu.memory_space<vmem>>) target_semaphore(%run_scoped3A : memref<!tpu.dma_semaphore, #tpu.memory_space<semaphore_mem>>)
      tpu.wait_dma2 semaphore(%run_scoped3A : memref<!tpu.dma_semaphore, #tpu.memory_space<semaphore_mem>>) src(%arg3 : memref<128x8xf32, #tpu.memory_space<hbm>>) dst(%arg7 : memref<128x8xf32, #tpu.memory_space<vmem>>)
      tpu.yield
    }) : () -> ()
    "tpu.region"() ({
      %run_scoped3A = tpu.sem_alloc : memref<!tpu.dma_semaphore, #tpu.memory_space<semaphore_mem>>
      %dma_start3A = arith.constant 0 : i32
      %dma_start3A_15 = arith.constant 0 : i32
      %dma_start3A_16 = tpu.memref_slice %arg2[%add3A, %dma_start3A, %dma_start3A_15] : memref<32x80x128xi32, #tpu.memory_space<hbm>> -> memref<1x80x128xi32, #tpu.memory_space<hbm>>
      %dma_start3A_17 = tpu.memref_squeeze %dma_start3A_16 : memref<1x80x128xi32, #tpu.memory_space<hbm>> -> memref<80x128xi32, #tpu.memory_space<hbm>>
      %dma_start3A_18 = arith.constant 0 : i32
      %dma_start3A_19 = arith.constant 0 : i32
      %dma_start3A_20 = tpu.memref_slice %arg2[%add3A, %dma_start3A_18, %dma_start3A_19] : memref<32x80x128xi32, #tpu.memory_space<hbm>> -> memref<1x80x128xi32, #tpu.memory_space<hbm>>
      %dma_start3A_21 = tpu.memref_squeeze %dma_start3A_20 : memref<1x80x128xi32, #tpu.memory_space<hbm>> -> memref<80x128xi32, #tpu.memory_space<hbm>>
      tpu.enqueue_dma source(%dma_start3A_21 : memref<80x128xi32, #tpu.memory_space<hbm>>) target(%arg6 : memref<80x128xi32, #tpu.memory_space<vmem>>) target_semaphore(%run_scoped3A : memref<!tpu.dma_semaphore, #tpu.memory_space<semaphore_mem>>)
      %dma_wait3A = arith.constant 0 : i32
      %dma_wait3A_22 = arith.constant 0 : i32
      %dma_wait3A_23 = tpu.memref_slice %arg2[%add3A, %dma_wait3A, %dma_wait3A_22] : memref<32x80x128xi32, #tpu.memory_space<hbm>> -> memref<1x80x128xi32, #tpu.memory_space<hbm>>
      %dma_wait3A_24 = tpu.memref_squeeze %dma_wait3A_23 : memref<1x80x128xi32, #tpu.memory_space<hbm>> -> memref<80x128xi32, #tpu.memory_space<hbm>>
      %dma_wait3A_25 = arith.constant 0 : i32
      %dma_wait3A_26 = arith.constant 0 : i32
      %dma_wait3A_27 = tpu.memref_slice %arg2[%add3A, %dma_wait3A_25, %dma_wait3A_26] : memref<32x80x128xi32, #tpu.memory_space<hbm>> -> memref<1x80x128xi32, #tpu.memory_space<hbm>>
      %dma_wait3A_28 = tpu.memref_squeeze %dma_wait3A_27 : memref<1x80x128xi32, #tpu.memory_space<hbm>> -> memref<80x128xi32, #tpu.memory_space<hbm>>
      tpu.wait_dma2 semaphore(%run_scoped3A : memref<!tpu.dma_semaphore, #tpu.memory_space<semaphore_mem>>) src(%dma_wait3A_28 : memref<80x128xi32, #tpu.memory_space<hbm>>) dst(%arg6 : memref<80x128xi32, #tpu.memory_space<vmem>>)
      tpu.yield
    }) : () -> ()
    %barrier3A = arith.constant 0 : index
    tpu.barrier barrier_id(%barrier3A)
    %scan3A = arith.constant 0 : i32
    %scan3A_3 = arith.constant 0 : i32
    %scan3A_4 = arith.constant 80 : i32
    %scan3A_5 = arith.addi %scan3A_3, %scan3A_4 : i32
    %scan3A_6 = arith.constant 1 : i32
    scf.for %scan3A_15 = %scan3A_3 to %scan3A_5 step %scan3A_6  : i32 {
      %dma_start3A = arith.constant 0 : i32
      %dma_start3A_16 = tpu.memref_slice %arg6[%scan3A_15, %dma_start3A] : memref<80x128xi32, #tpu.memory_space<vmem>> -> memref<1x128xi32, #tpu.memory_space<vmem>>
      %dma_start3A_17 = tpu.memref_squeeze %dma_start3A_16 : memref<1x128xi32, #tpu.memory_space<vmem>> -> memref<128xi32, #tpu.memory_space<vmem>>
      %dma_start3A_18 = arith.constant 0 : i32
      %dma_start3A_19 = arith.constant 0 : i32
      %dma_start3A_20 = tpu.memref_slice %arg8[%dma_start3A_18, %dma_start3A_19] : memref<10240x8xf32, #tpu.memory_space<vmem_shared>> -> memref<10240x8xf32, #tpu.memory_space<vmem_shared>>
      tpu.enqueue_indirect_dma source(%arg7 : memref<128x8xf32, #tpu.memory_space<vmem>>) target(%dma_start3A_20 : memref<10240x8xf32, #tpu.memory_space<vmem_shared>>) offsets(%dma_start3A_17 : memref<128xi32, #tpu.memory_space<vmem>>) semaphore(%arg9 : memref<!tpu.dma_semaphore, #tpu.memory_space<semaphore_mem>>) {add = true}
    }
    %scan3A_7 = arith.constant 80 : i32
    %scan3A_8 = arith.constant 0 : i32
    %scan3A_9 = arith.constant 0 : i32
    %scan3A_10 = arith.constant 80 : i32
    %scan3A_11 = arith.addi %scan3A_9, %scan3A_10 : i32
    %scan3A_12 = arith.constant 1 : i32
    scf.for %scan3A_15 = %scan3A_9 to %scan3A_11 step %scan3A_12  : i32 {
      %dma_wait3A = arith.constant 0 : i32
      %dma_wait3A_16 = tpu.memref_slice %arg6[%scan3A_15, %dma_wait3A] : memref<80x128xi32, #tpu.memory_space<vmem>> -> memref<1x128xi32, #tpu.memory_space<vmem>>
      %dma_wait3A_17 = tpu.memref_squeeze %dma_wait3A_16 : memref<1x128xi32, #tpu.memory_space<vmem>> -> memref<128xi32, #tpu.memory_space<vmem>>
      %dma_wait3A_18 = arith.constant 0 : i32
      %dma_wait3A_19 = arith.constant 0 : i32
      %dma_wait3A_20 = tpu.memref_slice %arg8[%dma_wait3A_18, %dma_wait3A_19] : memref<10240x8xf32, #tpu.memory_space<vmem_shared>> -> memref<10240x8xf32, #tpu.memory_space<vmem_shared>>
      tpu.wait_indirect_dma semaphore(%arg9 : memref<!tpu.dma_semaphore, #tpu.memory_space<semaphore_mem>>) src(%arg7 : memref<128x8xf32, #tpu.memory_space<vmem>>) dst(%dma_wait3A_20 : memref<10240x8xf32, #tpu.memory_space<vmem_shared>>)
    }
    %scan3A_13 = arith.constant 80 : i32
    %barrier3A_14 = arith.constant 0 : index
    tpu.barrier barrier_id(%barrier3A_14)
    "tpu.region"() ({
      %run_scoped3A = tpu.sem_alloc : memref<!tpu.dma_semaphore, #tpu.memory_space<semaphore_mem>>
      %dma_start3A = arith.constant 0 : i32
      %dma_start3A_15 = tpu.memref_slice %arg5[%arg0, %mul3A_2, %dma_start3A] : memref<2x10240x8xf32, #tpu.memory_space<hbm>> -> memref<1x640x8xf32, #tpu.memory_space<hbm>>
      %dma_start3A_16 = tpu.memref_squeeze %dma_start3A_15 : memref<1x640x8xf32, #tpu.memory_space<hbm>> -> memref<640x8xf32, #tpu.memory_space<hbm>>
      %dma_start3A_17 = arith.constant 0 : i32
      %dma_start3A_18 = tpu.memref_slice %arg8[%mul3A_2, %dma_start3A_17] : memref<10240x8xf32, #tpu.memory_space<vmem_shared>> -> memref<640x8xf32, #tpu.memory_space<vmem_shared>>
      tpu.enqueue_dma source(%dma_start3A_18 : memref<640x8xf32, #tpu.memory_space<vmem_shared>>) target(%dma_start3A_16 : memref<640x8xf32, #tpu.memory_space<hbm>>) target_semaphore(%run_scoped3A : memref<!tpu.dma_semaphore, #tpu.memory_space<semaphore_mem>>)
      %dma_wait3A = arith.constant 0 : i32
      %dma_wait3A_19 = tpu.memref_slice %arg5[%arg0, %mul3A_2, %dma_wait3A] : memref<2x10240x8xf32, #tpu.memory_space<hbm>> -> memref<1x640x8xf32, #tpu.memory_space<hbm>>
      %dma_wait3A_20 = tpu.memref_squeeze %dma_wait3A_19 : memref<1x640x8xf32, #tpu.memory_space<hbm>> -> memref<640x8xf32, #tpu.memory_space<hbm>>
      %dma_wait3A_21 = arith.constant 0 : i32
      %dma_wait3A_22 = tpu.memref_slice %arg8[%mul3A_2, %dma_wait3A_21] : memref<10240x8xf32, #tpu.memory_space<vmem_shared>> -> memref<640x8xf32, #tpu.memory_space<vmem_shared>>
      tpu.wait_dma2 semaphore(%run_scoped3A : memref<!tpu.dma_semaphore, #tpu.memory_space<semaphore_mem>>) src(%dma_wait3A_22 : memref<640x8xf32, #tpu.memory_space<vmem_shared>>) dst(%dma_wait3A_20 : memref<640x8xf32, #tpu.memory_space<hbm>>)
      tpu.yield
    }) : () -> ()
    return
  }
}

#map = affine_map<(d0, d1) -> (0, 0)>
#map1 = affine_map<(d0, d1) -> (0, 0, 0)>
module attributes {stable_mosaic.version = 14 : i64} {
  func.func @msg_kernel(%arg0: i32, %arg1: i32, %arg2: memref<10240x64xf32, #tpu.memory_space<hbm>>, %arg3: memref<32x80x128xi32, #tpu.memory_space<hbm>>, %arg4: memref<32x80x128xi32, #tpu.memory_space<hbm>>, %arg5: memref<640x64xf32, #tpu.memory_space<hbm>>, %arg6: memref<2x10240x64xf32, #tpu.memory_space<hbm>>, %arg7: memref<80x128xi32, #tpu.memory_space<vmem>>, %arg8: memref<80x128xi32, #tpu.memory_space<vmem>>, %arg9: memref<128x64xf32, #tpu.memory_space<vmem>>, %arg10: memref<128x64xf32, #tpu.memory_space<vmem>>, %arg11: memref<!tpu.dma_semaphore, #tpu.memory_space<semaphore_mem>>, %arg12: memref<!tpu.dma_semaphore, #tpu.memory_space<semaphore_mem>>, %arg13: memref<!tpu.dma_semaphore, #tpu.memory_space<semaphore_mem>>, %arg14: memref<10240x64xf32, #tpu.memory_space<vmem_shared>>, %arg15: memref<10240x64xf32, #tpu.memory_space<vmem_shared>>) attributes {dimension_semantics = [#tpu.dimension_semantics<core_parallel>, #tpu.dimension_semantics<subcore_parallel>], iteration_bounds = array<i64: 2, 16>, scalar_prefetch = 0 : i64, scratch_operands = 9 : i64, tpu.core_type = #tpu.core_type<sc_vector_subcore>, window_params = [{transform_indices = #map}, {transform_indices = #map1}, {transform_indices = #map1}, {transform_indices = #map}, {transform_indices = #map1}]} {
    %mul3A = arith.constant 2 : i32
    %mul3A_0 = arith.muli %arg1, %mul3A : i32
    %add3A = arith.addi %mul3A_0, %arg0 : i32
    %mul3A_1 = arith.constant 640 : i32
    %mul3A_2 = arith.muli %arg1, %mul3A_1 : i32
    "tpu.region"() ({
      %run_scoped3A = tpu.sem_alloc : memref<!tpu.dma_semaphore, #tpu.memory_space<semaphore_mem>>
      %dma_start3A_69 = arith.constant 0 : i32
      %dma_start3A_70 = arith.constant 0 : i32
      %dma_start3A_71 = tpu.memref_slice %arg3[%add3A, %dma_start3A_69, %dma_start3A_70] : memref<32x80x128xi32, #tpu.memory_space<hbm>> -> memref<1x80x128xi32, #tpu.memory_space<hbm>>
      %dma_start3A_72 = tpu.memref_squeeze %dma_start3A_71 : memref<1x80x128xi32, #tpu.memory_space<hbm>> -> memref<80x128xi32, #tpu.memory_space<hbm>>
      %dma_start3A_73 = arith.constant 0 : i32
      %dma_start3A_74 = arith.constant 0 : i32
      %dma_start3A_75 = tpu.memref_slice %arg3[%add3A, %dma_start3A_73, %dma_start3A_74] : memref<32x80x128xi32, #tpu.memory_space<hbm>> -> memref<1x80x128xi32, #tpu.memory_space<hbm>>
      %dma_start3A_76 = tpu.memref_squeeze %dma_start3A_75 : memref<1x80x128xi32, #tpu.memory_space<hbm>> -> memref<80x128xi32, #tpu.memory_space<hbm>>
      tpu.enqueue_dma source(%dma_start3A_76 : memref<80x128xi32, #tpu.memory_space<hbm>>) target(%arg7 : memref<80x128xi32, #tpu.memory_space<vmem>>) target_semaphore(%run_scoped3A : memref<!tpu.dma_semaphore, #tpu.memory_space<semaphore_mem>>)
      %dma_wait3A_77 = arith.constant 0 : i32
      %dma_wait3A_78 = arith.constant 0 : i32
      %dma_wait3A_79 = tpu.memref_slice %arg3[%add3A, %dma_wait3A_77, %dma_wait3A_78] : memref<32x80x128xi32, #tpu.memory_space<hbm>> -> memref<1x80x128xi32, #tpu.memory_space<hbm>>
      %dma_wait3A_80 = tpu.memref_squeeze %dma_wait3A_79 : memref<1x80x128xi32, #tpu.memory_space<hbm>> -> memref<80x128xi32, #tpu.memory_space<hbm>>
      %dma_wait3A_81 = arith.constant 0 : i32
      %dma_wait3A_82 = arith.constant 0 : i32
      %dma_wait3A_83 = tpu.memref_slice %arg3[%add3A, %dma_wait3A_81, %dma_wait3A_82] : memref<32x80x128xi32, #tpu.memory_space<hbm>> -> memref<1x80x128xi32, #tpu.memory_space<hbm>>
      %dma_wait3A_84 = tpu.memref_squeeze %dma_wait3A_83 : memref<1x80x128xi32, #tpu.memory_space<hbm>> -> memref<80x128xi32, #tpu.memory_space<hbm>>
      tpu.wait_dma2 semaphore(%run_scoped3A : memref<!tpu.dma_semaphore, #tpu.memory_space<semaphore_mem>>) src(%dma_wait3A_84 : memref<80x128xi32, #tpu.memory_space<hbm>>) dst(%arg7 : memref<80x128xi32, #tpu.memory_space<vmem>>)
      tpu.yield
    }) : () -> ()
    "tpu.region"() ({
      %run_scoped3A = tpu.sem_alloc : memref<!tpu.dma_semaphore, #tpu.memory_space<semaphore_mem>>
      %dma_start3A_69 = arith.constant 0 : i32
      %dma_start3A_70 = arith.constant 0 : i32
      %dma_start3A_71 = tpu.memref_slice %arg4[%add3A, %dma_start3A_69, %dma_start3A_70] : memref<32x80x128xi32, #tpu.memory_space<hbm>> -> memref<1x80x128xi32, #tpu.memory_space<hbm>>
      %dma_start3A_72 = tpu.memref_squeeze %dma_start3A_71 : memref<1x80x128xi32, #tpu.memory_space<hbm>> -> memref<80x128xi32, #tpu.memory_space<hbm>>
      %dma_start3A_73 = arith.constant 0 : i32
      %dma_start3A_74 = arith.constant 0 : i32
      %dma_start3A_75 = tpu.memref_slice %arg4[%add3A, %dma_start3A_73, %dma_start3A_74] : memref<32x80x128xi32, #tpu.memory_space<hbm>> -> memref<1x80x128xi32, #tpu.memory_space<hbm>>
      %dma_start3A_76 = tpu.memref_squeeze %dma_start3A_75 : memref<1x80x128xi32, #tpu.memory_space<hbm>> -> memref<80x128xi32, #tpu.memory_space<hbm>>
      tpu.enqueue_dma source(%dma_start3A_76 : memref<80x128xi32, #tpu.memory_space<hbm>>) target(%arg8 : memref<80x128xi32, #tpu.memory_space<vmem>>) target_semaphore(%run_scoped3A : memref<!tpu.dma_semaphore, #tpu.memory_space<semaphore_mem>>)
      %dma_wait3A_77 = arith.constant 0 : i32
      %dma_wait3A_78 = arith.constant 0 : i32
      %dma_wait3A_79 = tpu.memref_slice %arg4[%add3A, %dma_wait3A_77, %dma_wait3A_78] : memref<32x80x128xi32, #tpu.memory_space<hbm>> -> memref<1x80x128xi32, #tpu.memory_space<hbm>>
      %dma_wait3A_80 = tpu.memref_squeeze %dma_wait3A_79 : memref<1x80x128xi32, #tpu.memory_space<hbm>> -> memref<80x128xi32, #tpu.memory_space<hbm>>
      %dma_wait3A_81 = arith.constant 0 : i32
      %dma_wait3A_82 = arith.constant 0 : i32
      %dma_wait3A_83 = tpu.memref_slice %arg4[%add3A, %dma_wait3A_81, %dma_wait3A_82] : memref<32x80x128xi32, #tpu.memory_space<hbm>> -> memref<1x80x128xi32, #tpu.memory_space<hbm>>
      %dma_wait3A_84 = tpu.memref_squeeze %dma_wait3A_83 : memref<1x80x128xi32, #tpu.memory_space<hbm>> -> memref<80x128xi32, #tpu.memory_space<hbm>>
      tpu.wait_dma2 semaphore(%run_scoped3A : memref<!tpu.dma_semaphore, #tpu.memory_space<semaphore_mem>>) src(%dma_wait3A_84 : memref<80x128xi32, #tpu.memory_space<hbm>>) dst(%arg8 : memref<80x128xi32, #tpu.memory_space<vmem>>)
      tpu.yield
    }) : () -> ()
    "tpu.region"() ({
      %run_scoped3A = tpu.sem_alloc : memref<!tpu.dma_semaphore, #tpu.memory_space<semaphore_mem>>
      %dma_start3A_69 = arith.constant 0 : i32
      %dma_start3A_70 = tpu.memref_slice %arg15[%mul3A_2, %dma_start3A_69] : memref<10240x64xf32, #tpu.memory_space<vmem_shared>> -> memref<640x64xf32, #tpu.memory_space<vmem_shared>>
      %dma_start3A_71 = arith.constant 0 : i32
      %dma_start3A_72 = tpu.memref_slice %arg2[%mul3A_2, %dma_start3A_71] : memref<10240x64xf32, #tpu.memory_space<hbm>> -> memref<640x64xf32, #tpu.memory_space<hbm>>
      tpu.enqueue_dma source(%dma_start3A_72 : memref<640x64xf32, #tpu.memory_space<hbm>>) target(%dma_start3A_70 : memref<640x64xf32, #tpu.memory_space<vmem_shared>>) target_semaphore(%run_scoped3A : memref<!tpu.dma_semaphore, #tpu.memory_space<semaphore_mem>>)
      %dma_wait3A_73 = arith.constant 0 : i32
      %dma_wait3A_74 = tpu.memref_slice %arg15[%mul3A_2, %dma_wait3A_73] : memref<10240x64xf32, #tpu.memory_space<vmem_shared>> -> memref<640x64xf32, #tpu.memory_space<vmem_shared>>
      %dma_wait3A_75 = arith.constant 0 : i32
      %dma_wait3A_76 = tpu.memref_slice %arg2[%mul3A_2, %dma_wait3A_75] : memref<10240x64xf32, #tpu.memory_space<hbm>> -> memref<640x64xf32, #tpu.memory_space<hbm>>
      tpu.wait_dma2 semaphore(%run_scoped3A : memref<!tpu.dma_semaphore, #tpu.memory_space<semaphore_mem>>) src(%dma_wait3A_76 : memref<640x64xf32, #tpu.memory_space<hbm>>) dst(%dma_wait3A_74 : memref<640x64xf32, #tpu.memory_space<vmem_shared>>)
      tpu.yield
    }) : () -> ()
    %eq3A = arith.constant 0 : i32
    %eq3A_3 = arith.cmpi eq, %arg0, %eq3A : i32
    %convert_element_type3A = arith.extui %eq3A_3 : i1 to i32
    %cond3A = arith.constant 0 : i32
    %cond3A_4 = arith.cmpi ne, %convert_element_type3A, %cond3A : i32
    scf.if %cond3A_4 {
      "tpu.region"() ({
        %run_scoped3A = tpu.sem_alloc : memref<!tpu.dma_semaphore, #tpu.memory_space<semaphore_mem>>
        %dma_start3A_69 = arith.constant 0 : i32
        %dma_start3A_70 = tpu.memref_slice %arg14[%mul3A_2, %dma_start3A_69] : memref<10240x64xf32, #tpu.memory_space<vmem_shared>> -> memref<640x64xf32, #tpu.memory_space<vmem_shared>>
        %dma_start3A_71 = arith.constant 0 : i32
        %dma_start3A_72 = tpu.memref_slice %arg2[%mul3A_2, %dma_start3A_71] : memref<10240x64xf32, #tpu.memory_space<hbm>> -> memref<640x64xf32, #tpu.memory_space<hbm>>
        tpu.enqueue_dma source(%dma_start3A_72 : memref<640x64xf32, #tpu.memory_space<hbm>>) target(%dma_start3A_70 : memref<640x64xf32, #tpu.memory_space<vmem_shared>>) target_semaphore(%run_scoped3A : memref<!tpu.dma_semaphore, #tpu.memory_space<semaphore_mem>>)
        %dma_wait3A_73 = arith.constant 0 : i32
        %dma_wait3A_74 = tpu.memref_slice %arg14[%mul3A_2, %dma_wait3A_73] : memref<10240x64xf32, #tpu.memory_space<vmem_shared>> -> memref<640x64xf32, #tpu.memory_space<vmem_shared>>
        %dma_wait3A_75 = arith.constant 0 : i32
        %dma_wait3A_76 = tpu.memref_slice %arg2[%mul3A_2, %dma_wait3A_75] : memref<10240x64xf32, #tpu.memory_space<hbm>> -> memref<640x64xf32, #tpu.memory_space<hbm>>
        tpu.wait_dma2 semaphore(%run_scoped3A : memref<!tpu.dma_semaphore, #tpu.memory_space<semaphore_mem>>) src(%dma_wait3A_76 : memref<640x64xf32, #tpu.memory_space<hbm>>) dst(%dma_wait3A_74 : memref<640x64xf32, #tpu.memory_space<vmem_shared>>)
        tpu.yield
      }) : () -> ()
    } else {
    }
    %ne3A = arith.constant 0 : i32
    %ne3A_5 = arith.cmpi ne, %arg0, %ne3A : i32
    %convert_element_type3A_6 = arith.extui %ne3A_5 : i1 to i32
    %cond3A_7 = arith.constant 0 : i32
    %cond3A_8 = arith.cmpi ne, %convert_element_type3A_6, %cond3A_7 : i32
    scf.if %cond3A_8 {
      "tpu.region"() ({
        %run_scoped3A = tpu.sem_alloc : memref<!tpu.dma_semaphore, #tpu.memory_space<semaphore_mem>>
        %dma_start3A_69 = arith.constant 0 : i32
        %dma_start3A_70 = tpu.memref_slice %arg14[%mul3A_2, %dma_start3A_69] : memref<10240x64xf32, #tpu.memory_space<vmem_shared>> -> memref<640x64xf32, #tpu.memory_space<vmem_shared>>
        tpu.enqueue_dma source(%arg5 : memref<640x64xf32, #tpu.memory_space<hbm>>) target(%dma_start3A_70 : memref<640x64xf32, #tpu.memory_space<vmem_shared>>) target_semaphore(%run_scoped3A : memref<!tpu.dma_semaphore, #tpu.memory_space<semaphore_mem>>)
        %dma_wait3A_71 = arith.constant 0 : i32
        %dma_wait3A_72 = tpu.memref_slice %arg14[%mul3A_2, %dma_wait3A_71] : memref<10240x64xf32, #tpu.memory_space<vmem_shared>> -> memref<640x64xf32, #tpu.memory_space<vmem_shared>>
        tpu.wait_dma2 semaphore(%run_scoped3A : memref<!tpu.dma_semaphore, #tpu.memory_space<semaphore_mem>>) src(%arg5 : memref<640x64xf32, #tpu.memory_space<hbm>>) dst(%dma_wait3A_72 : memref<640x64xf32, #tpu.memory_space<vmem_shared>>)
        tpu.yield
      }) : () -> ()
    } else {
    }
    %barrier3A = arith.constant 0 : index
    tpu.barrier barrier_id(%barrier3A)
    %dma_start3A = arith.constant 0 : i32
    %dma_start3A_9 = arith.constant 0 : i32
    %dma_start3A_10 = tpu.memref_slice %arg7[%dma_start3A, %dma_start3A_9] : memref<80x128xi32, #tpu.memory_space<vmem>> -> memref<1x128xi32, #tpu.memory_space<vmem>>
    %dma_start3A_11 = tpu.memref_squeeze %dma_start3A_10 : memref<1x128xi32, #tpu.memory_space<vmem>> -> memref<128xi32, #tpu.memory_space<vmem>>
    %dma_start3A_12 = arith.constant 0 : i32
    %dma_start3A_13 = arith.constant 0 : i32
    %dma_start3A_14 = tpu.memref_slice %arg15[%dma_start3A_12, %dma_start3A_13] : memref<10240x64xf32, #tpu.memory_space<vmem_shared>> -> memref<10240x64xf32, #tpu.memory_space<vmem_shared>>
    tpu.enqueue_indirect_dma source(%dma_start3A_14 : memref<10240x64xf32, #tpu.memory_space<vmem_shared>>) target(%arg9 : memref<128x64xf32, #tpu.memory_space<vmem>>) offsets(%dma_start3A_11 : memref<128xi32, #tpu.memory_space<vmem>>) semaphore(%arg13 : memref<!tpu.dma_semaphore, #tpu.memory_space<semaphore_mem>>)
    %dma_wait3A = arith.constant 0 : i32
    %dma_wait3A_15 = arith.constant 0 : i32
    %dma_wait3A_16 = tpu.memref_slice %arg7[%dma_wait3A, %dma_wait3A_15] : memref<80x128xi32, #tpu.memory_space<vmem>> -> memref<1x128xi32, #tpu.memory_space<vmem>>
    %dma_wait3A_17 = tpu.memref_squeeze %dma_wait3A_16 : memref<1x128xi32, #tpu.memory_space<vmem>> -> memref<128xi32, #tpu.memory_space<vmem>>
    %dma_wait3A_18 = arith.constant 0 : i32
    %dma_wait3A_19 = arith.constant 0 : i32
    %dma_wait3A_20 = tpu.memref_slice %arg15[%dma_wait3A_18, %dma_wait3A_19] : memref<10240x64xf32, #tpu.memory_space<vmem_shared>> -> memref<10240x64xf32, #tpu.memory_space<vmem_shared>>
    tpu.wait_indirect_dma semaphore(%arg13 : memref<!tpu.dma_semaphore, #tpu.memory_space<semaphore_mem>>) src(%dma_wait3A_20 : memref<10240x64xf32, #tpu.memory_space<vmem_shared>>) dst(%arg9 : memref<128x64xf32, #tpu.memory_space<vmem>>)
    %dma_start3A_21 = arith.constant 0 : i32
    %dma_start3A_22 = arith.constant 0 : i32
    %dma_start3A_23 = tpu.memref_slice %arg8[%dma_start3A_21, %dma_start3A_22] : memref<80x128xi32, #tpu.memory_space<vmem>> -> memref<1x128xi32, #tpu.memory_space<vmem>>
    %dma_start3A_24 = tpu.memref_squeeze %dma_start3A_23 : memref<1x128xi32, #tpu.memory_space<vmem>> -> memref<128xi32, #tpu.memory_space<vmem>>
    %dma_start3A_25 = arith.constant 0 : i32
    %dma_start3A_26 = arith.constant 0 : i32
    %dma_start3A_27 = tpu.memref_slice %arg14[%dma_start3A_25, %dma_start3A_26] : memref<10240x64xf32, #tpu.memory_space<vmem_shared>> -> memref<10240x64xf32, #tpu.memory_space<vmem_shared>>
    tpu.enqueue_indirect_dma source(%arg9 : memref<128x64xf32, #tpu.memory_space<vmem>>) target(%dma_start3A_27 : memref<10240x64xf32, #tpu.memory_space<vmem_shared>>) offsets(%dma_start3A_24 : memref<128xi32, #tpu.memory_space<vmem>>) semaphore(%arg11 : memref<!tpu.dma_semaphore, #tpu.memory_space<semaphore_mem>>) {add = true}
    %dma_start3A_28 = arith.constant 1 : i32
    %dma_start3A_29 = arith.constant 0 : i32
    %dma_start3A_30 = tpu.memref_slice %arg7[%dma_start3A_28, %dma_start3A_29] : memref<80x128xi32, #tpu.memory_space<vmem>> -> memref<1x128xi32, #tpu.memory_space<vmem>>
    %dma_start3A_31 = tpu.memref_squeeze %dma_start3A_30 : memref<1x128xi32, #tpu.memory_space<vmem>> -> memref<128xi32, #tpu.memory_space<vmem>>
    %dma_start3A_32 = arith.constant 0 : i32
    %dma_start3A_33 = arith.constant 0 : i32
    %dma_start3A_34 = tpu.memref_slice %arg15[%dma_start3A_32, %dma_start3A_33] : memref<10240x64xf32, #tpu.memory_space<vmem_shared>> -> memref<10240x64xf32, #tpu.memory_space<vmem_shared>>
    tpu.enqueue_indirect_dma source(%dma_start3A_34 : memref<10240x64xf32, #tpu.memory_space<vmem_shared>>) target(%arg10 : memref<128x64xf32, #tpu.memory_space<vmem>>) offsets(%dma_start3A_31 : memref<128xi32, #tpu.memory_space<vmem>>) semaphore(%arg13 : memref<!tpu.dma_semaphore, #tpu.memory_space<semaphore_mem>>)
    %dma_wait3A_35 = arith.constant 1 : i32
    %dma_wait3A_36 = arith.constant 0 : i32
    %dma_wait3A_37 = tpu.memref_slice %arg7[%dma_wait3A_35, %dma_wait3A_36] : memref<80x128xi32, #tpu.memory_space<vmem>> -> memref<1x128xi32, #tpu.memory_space<vmem>>
    %dma_wait3A_38 = tpu.memref_squeeze %dma_wait3A_37 : memref<1x128xi32, #tpu.memory_space<vmem>> -> memref<128xi32, #tpu.memory_space<vmem>>
    %dma_wait3A_39 = arith.constant 0 : i32
    %dma_wait3A_40 = arith.constant 0 : i32
    %dma_wait3A_41 = tpu.memref_slice %arg15[%dma_wait3A_39, %dma_wait3A_40] : memref<10240x64xf32, #tpu.memory_space<vmem_shared>> -> memref<10240x64xf32, #tpu.memory_space<vmem_shared>>
    tpu.wait_indirect_dma semaphore(%arg13 : memref<!tpu.dma_semaphore, #tpu.memory_space<semaphore_mem>>) src(%dma_wait3A_41 : memref<10240x64xf32, #tpu.memory_space<vmem_shared>>) dst(%arg10 : memref<128x64xf32, #tpu.memory_space<vmem>>)
    %dma_start3A_42 = arith.constant 1 : i32
    %dma_start3A_43 = arith.constant 0 : i32
    %dma_start3A_44 = tpu.memref_slice %arg8[%dma_start3A_42, %dma_start3A_43] : memref<80x128xi32, #tpu.memory_space<vmem>> -> memref<1x128xi32, #tpu.memory_space<vmem>>
    %dma_start3A_45 = tpu.memref_squeeze %dma_start3A_44 : memref<1x128xi32, #tpu.memory_space<vmem>> -> memref<128xi32, #tpu.memory_space<vmem>>
    %dma_start3A_46 = arith.constant 0 : i32
    %dma_start3A_47 = arith.constant 0 : i32
    %dma_start3A_48 = tpu.memref_slice %arg14[%dma_start3A_46, %dma_start3A_47] : memref<10240x64xf32, #tpu.memory_space<vmem_shared>> -> memref<10240x64xf32, #tpu.memory_space<vmem_shared>>
    tpu.enqueue_indirect_dma source(%arg10 : memref<128x64xf32, #tpu.memory_space<vmem>>) target(%dma_start3A_48 : memref<10240x64xf32, #tpu.memory_space<vmem_shared>>) offsets(%dma_start3A_45 : memref<128xi32, #tpu.memory_space<vmem>>) semaphore(%arg12 : memref<!tpu.dma_semaphore, #tpu.memory_space<semaphore_mem>>) {add = true}
    %scan3A = arith.constant 0 : i32
    %scan3A_49 = arith.constant 1 : i32
    %scan3A_50 = arith.constant 39 : i32
    %scan3A_51 = arith.addi %scan3A_49, %scan3A_50 : i32
    %scan3A_52 = arith.constant 1 : i32
    scf.for %scan3A_69 = %scan3A_49 to %scan3A_51 step %scan3A_52  : i32 {
      %mul3A_70 = arith.constant 2 : i32
      %mul3A_71 = arith.muli %scan3A_69, %mul3A_70 : i32
      %add3A_72 = arith.constant 0 : i32
      %add3A_73 = arith.addi %mul3A_71, %add3A_72 : i32
      %sub3A = arith.constant 2 : i32
      %sub3A_74 = arith.subi %add3A_73, %sub3A : i32
      %dma_wait3A_75 = arith.constant 0 : i32
      %dma_wait3A_76 = tpu.memref_slice %arg8[%sub3A_74, %dma_wait3A_75] : memref<80x128xi32, #tpu.memory_space<vmem>> -> memref<1x128xi32, #tpu.memory_space<vmem>>
      %dma_wait3A_77 = tpu.memref_squeeze %dma_wait3A_76 : memref<1x128xi32, #tpu.memory_space<vmem>> -> memref<128xi32, #tpu.memory_space<vmem>>
      %dma_wait3A_78 = arith.constant 0 : i32
      %dma_wait3A_79 = arith.constant 0 : i32
      %dma_wait3A_80 = tpu.memref_slice %arg14[%dma_wait3A_78, %dma_wait3A_79] : memref<10240x64xf32, #tpu.memory_space<vmem_shared>> -> memref<10240x64xf32, #tpu.memory_space<vmem_shared>>
      tpu.wait_indirect_dma semaphore(%arg11 : memref<!tpu.dma_semaphore, #tpu.memory_space<semaphore_mem>>) src(%arg9 : memref<128x64xf32, #tpu.memory_space<vmem>>) dst(%dma_wait3A_80 : memref<10240x64xf32, #tpu.memory_space<vmem_shared>>)
      %dma_start3A_81 = arith.constant 0 : i32
      %dma_start3A_82 = tpu.memref_slice %arg7[%add3A_73, %dma_start3A_81] : memref<80x128xi32, #tpu.memory_space<vmem>> -> memref<1x128xi32, #tpu.memory_space<vmem>>
      %dma_start3A_83 = tpu.memref_squeeze %dma_start3A_82 : memref<1x128xi32, #tpu.memory_space<vmem>> -> memref<128xi32, #tpu.memory_space<vmem>>
      %dma_start3A_84 = arith.constant 0 : i32
      %dma_start3A_85 = arith.constant 0 : i32
      %dma_start3A_86 = tpu.memref_slice %arg15[%dma_start3A_84, %dma_start3A_85] : memref<10240x64xf32, #tpu.memory_space<vmem_shared>> -> memref<10240x64xf32, #tpu.memory_space<vmem_shared>>
      tpu.enqueue_indirect_dma source(%dma_start3A_86 : memref<10240x64xf32, #tpu.memory_space<vmem_shared>>) target(%arg9 : memref<128x64xf32, #tpu.memory_space<vmem>>) offsets(%dma_start3A_83 : memref<128xi32, #tpu.memory_space<vmem>>) semaphore(%arg13 : memref<!tpu.dma_semaphore, #tpu.memory_space<semaphore_mem>>)
      %dma_wait3A_87 = arith.constant 0 : i32
      %dma_wait3A_88 = tpu.memref_slice %arg7[%add3A_73, %dma_wait3A_87] : memref<80x128xi32, #tpu.memory_space<vmem>> -> memref<1x128xi32, #tpu.memory_space<vmem>>
      %dma_wait3A_89 = tpu.memref_squeeze %dma_wait3A_88 : memref<1x128xi32, #tpu.memory_space<vmem>> -> memref<128xi32, #tpu.memory_space<vmem>>
      %dma_wait3A_90 = arith.constant 0 : i32
      %dma_wait3A_91 = arith.constant 0 : i32
      %dma_wait3A_92 = tpu.memref_slice %arg15[%dma_wait3A_90, %dma_wait3A_91] : memref<10240x64xf32, #tpu.memory_space<vmem_shared>> -> memref<10240x64xf32, #tpu.memory_space<vmem_shared>>
      tpu.wait_indirect_dma semaphore(%arg13 : memref<!tpu.dma_semaphore, #tpu.memory_space<semaphore_mem>>) src(%dma_wait3A_92 : memref<10240x64xf32, #tpu.memory_space<vmem_shared>>) dst(%arg9 : memref<128x64xf32, #tpu.memory_space<vmem>>)
      %dma_start3A_93 = arith.constant 0 : i32
      %dma_start3A_94 = tpu.memref_slice %arg8[%add3A_73, %dma_start3A_93] : memref<80x128xi32, #tpu.memory_space<vmem>> -> memref<1x128xi32, #tpu.memory_space<vmem>>
      %dma_start3A_95 = tpu.memref_squeeze %dma_start3A_94 : memref<1x128xi32, #tpu.memory_space<vmem>> -> memref<128xi32, #tpu.memory_space<vmem>>
      %dma_start3A_96 = arith.constant 0 : i32
      %dma_start3A_97 = arith.constant 0 : i32
      %dma_start3A_98 = tpu.memref_slice %arg14[%dma_start3A_96, %dma_start3A_97] : memref<10240x64xf32, #tpu.memory_space<vmem_shared>> -> memref<10240x64xf32, #tpu.memory_space<vmem_shared>>
      tpu.enqueue_indirect_dma source(%arg9 : memref<128x64xf32, #tpu.memory_space<vmem>>) target(%dma_start3A_98 : memref<10240x64xf32, #tpu.memory_space<vmem_shared>>) offsets(%dma_start3A_95 : memref<128xi32, #tpu.memory_space<vmem>>) semaphore(%arg11 : memref<!tpu.dma_semaphore, #tpu.memory_space<semaphore_mem>>) {add = true}
      %add3A_99 = arith.constant 1 : i32
      %add3A_100 = arith.addi %mul3A_71, %add3A_99 : i32
      %sub3A_101 = arith.constant 2 : i32
      %sub3A_102 = arith.subi %add3A_100, %sub3A_101 : i32
      %dma_wait3A_103 = arith.constant 0 : i32
      %dma_wait3A_104 = tpu.memref_slice %arg8[%sub3A_102, %dma_wait3A_103] : memref<80x128xi32, #tpu.memory_space<vmem>> -> memref<1x128xi32, #tpu.memory_space<vmem>>
      %dma_wait3A_105 = tpu.memref_squeeze %dma_wait3A_104 : memref<1x128xi32, #tpu.memory_space<vmem>> -> memref<128xi32, #tpu.memory_space<vmem>>
      %dma_wait3A_106 = arith.constant 0 : i32
      %dma_wait3A_107 = arith.constant 0 : i32
      %dma_wait3A_108 = tpu.memref_slice %arg14[%dma_wait3A_106, %dma_wait3A_107] : memref<10240x64xf32, #tpu.memory_space<vmem_shared>> -> memref<10240x64xf32, #tpu.memory_space<vmem_shared>>
      tpu.wait_indirect_dma semaphore(%arg12 : memref<!tpu.dma_semaphore, #tpu.memory_space<semaphore_mem>>) src(%arg10 : memref<128x64xf32, #tpu.memory_space<vmem>>) dst(%dma_wait3A_108 : memref<10240x64xf32, #tpu.memory_space<vmem_shared>>)
      %dma_start3A_109 = arith.constant 0 : i32
      %dma_start3A_110 = tpu.memref_slice %arg7[%add3A_100, %dma_start3A_109] : memref<80x128xi32, #tpu.memory_space<vmem>> -> memref<1x128xi32, #tpu.memory_space<vmem>>
      %dma_start3A_111 = tpu.memref_squeeze %dma_start3A_110 : memref<1x128xi32, #tpu.memory_space<vmem>> -> memref<128xi32, #tpu.memory_space<vmem>>
      %dma_start3A_112 = arith.constant 0 : i32
      %dma_start3A_113 = arith.constant 0 : i32
      %dma_start3A_114 = tpu.memref_slice %arg15[%dma_start3A_112, %dma_start3A_113] : memref<10240x64xf32, #tpu.memory_space<vmem_shared>> -> memref<10240x64xf32, #tpu.memory_space<vmem_shared>>
      tpu.enqueue_indirect_dma source(%dma_start3A_114 : memref<10240x64xf32, #tpu.memory_space<vmem_shared>>) target(%arg10 : memref<128x64xf32, #tpu.memory_space<vmem>>) offsets(%dma_start3A_111 : memref<128xi32, #tpu.memory_space<vmem>>) semaphore(%arg13 : memref<!tpu.dma_semaphore, #tpu.memory_space<semaphore_mem>>)
      %dma_wait3A_115 = arith.constant 0 : i32
      %dma_wait3A_116 = tpu.memref_slice %arg7[%add3A_100, %dma_wait3A_115] : memref<80x128xi32, #tpu.memory_space<vmem>> -> memref<1x128xi32, #tpu.memory_space<vmem>>
      %dma_wait3A_117 = tpu.memref_squeeze %dma_wait3A_116 : memref<1x128xi32, #tpu.memory_space<vmem>> -> memref<128xi32, #tpu.memory_space<vmem>>
      %dma_wait3A_118 = arith.constant 0 : i32
      %dma_wait3A_119 = arith.constant 0 : i32
      %dma_wait3A_120 = tpu.memref_slice %arg15[%dma_wait3A_118, %dma_wait3A_119] : memref<10240x64xf32, #tpu.memory_space<vmem_shared>> -> memref<10240x64xf32, #tpu.memory_space<vmem_shared>>
      tpu.wait_indirect_dma semaphore(%arg13 : memref<!tpu.dma_semaphore, #tpu.memory_space<semaphore_mem>>) src(%dma_wait3A_120 : memref<10240x64xf32, #tpu.memory_space<vmem_shared>>) dst(%arg10 : memref<128x64xf32, #tpu.memory_space<vmem>>)
      %dma_start3A_121 = arith.constant 0 : i32
      %dma_start3A_122 = tpu.memref_slice %arg8[%add3A_100, %dma_start3A_121] : memref<80x128xi32, #tpu.memory_space<vmem>> -> memref<1x128xi32, #tpu.memory_space<vmem>>
      %dma_start3A_123 = tpu.memref_squeeze %dma_start3A_122 : memref<1x128xi32, #tpu.memory_space<vmem>> -> memref<128xi32, #tpu.memory_space<vmem>>
      %dma_start3A_124 = arith.constant 0 : i32
      %dma_start3A_125 = arith.constant 0 : i32
      %dma_start3A_126 = tpu.memref_slice %arg14[%dma_start3A_124, %dma_start3A_125] : memref<10240x64xf32, #tpu.memory_space<vmem_shared>> -> memref<10240x64xf32, #tpu.memory_space<vmem_shared>>
      tpu.enqueue_indirect_dma source(%arg10 : memref<128x64xf32, #tpu.memory_space<vmem>>) target(%dma_start3A_126 : memref<10240x64xf32, #tpu.memory_space<vmem_shared>>) offsets(%dma_start3A_123 : memref<128xi32, #tpu.memory_space<vmem>>) semaphore(%arg12 : memref<!tpu.dma_semaphore, #tpu.memory_space<semaphore_mem>>) {add = true}
    }
    %scan3A_53 = arith.constant 39 : i32
    %dma_wait3A_54 = arith.constant 78 : i32
    %dma_wait3A_55 = arith.constant 0 : i32
    %dma_wait3A_56 = tpu.memref_slice %arg8[%dma_wait3A_54, %dma_wait3A_55] : memref<80x128xi32, #tpu.memory_space<vmem>> -> memref<1x128xi32, #tpu.memory_space<vmem>>
    %dma_wait3A_57 = tpu.memref_squeeze %dma_wait3A_56 : memref<1x128xi32, #tpu.memory_space<vmem>> -> memref<128xi32, #tpu.memory_space<vmem>>
    %dma_wait3A_58 = arith.constant 0 : i32
    %dma_wait3A_59 = arith.constant 0 : i32
    %dma_wait3A_60 = tpu.memref_slice %arg14[%dma_wait3A_58, %dma_wait3A_59] : memref<10240x64xf32, #tpu.memory_space<vmem_shared>> -> memref<10240x64xf32, #tpu.memory_space<vmem_shared>>
    tpu.wait_indirect_dma semaphore(%arg11 : memref<!tpu.dma_semaphore, #tpu.memory_space<semaphore_mem>>) src(%arg9 : memref<128x64xf32, #tpu.memory_space<vmem>>) dst(%dma_wait3A_60 : memref<10240x64xf32, #tpu.memory_space<vmem_shared>>)
    %dma_wait3A_61 = arith.constant 79 : i32
    %dma_wait3A_62 = arith.constant 0 : i32
    %dma_wait3A_63 = tpu.memref_slice %arg8[%dma_wait3A_61, %dma_wait3A_62] : memref<80x128xi32, #tpu.memory_space<vmem>> -> memref<1x128xi32, #tpu.memory_space<vmem>>
    %dma_wait3A_64 = tpu.memref_squeeze %dma_wait3A_63 : memref<1x128xi32, #tpu.memory_space<vmem>> -> memref<128xi32, #tpu.memory_space<vmem>>
    %dma_wait3A_65 = arith.constant 0 : i32
    %dma_wait3A_66 = arith.constant 0 : i32
    %dma_wait3A_67 = tpu.memref_slice %arg14[%dma_wait3A_65, %dma_wait3A_66] : memref<10240x64xf32, #tpu.memory_space<vmem_shared>> -> memref<10240x64xf32, #tpu.memory_space<vmem_shared>>
    tpu.wait_indirect_dma semaphore(%arg12 : memref<!tpu.dma_semaphore, #tpu.memory_space<semaphore_mem>>) src(%arg10 : memref<128x64xf32, #tpu.memory_space<vmem>>) dst(%dma_wait3A_67 : memref<10240x64xf32, #tpu.memory_space<vmem_shared>>)
    %barrier3A_68 = arith.constant 0 : index
    tpu.barrier barrier_id(%barrier3A_68)
    "tpu.region"() ({
      %run_scoped3A = tpu.sem_alloc : memref<!tpu.dma_semaphore, #tpu.memory_space<semaphore_mem>>
      %dma_start3A_69 = arith.constant 0 : i32
      %dma_start3A_70 = tpu.memref_slice %arg6[%arg0, %mul3A_2, %dma_start3A_69] : memref<2x10240x64xf32, #tpu.memory_space<hbm>> -> memref<1x640x64xf32, #tpu.memory_space<hbm>>
      %dma_start3A_71 = tpu.memref_squeeze %dma_start3A_70 : memref<1x640x64xf32, #tpu.memory_space<hbm>> -> memref<640x64xf32, #tpu.memory_space<hbm>>
      %dma_start3A_72 = arith.constant 0 : i32
      %dma_start3A_73 = tpu.memref_slice %arg14[%mul3A_2, %dma_start3A_72] : memref<10240x64xf32, #tpu.memory_space<vmem_shared>> -> memref<640x64xf32, #tpu.memory_space<vmem_shared>>
      tpu.enqueue_dma source(%dma_start3A_73 : memref<640x64xf32, #tpu.memory_space<vmem_shared>>) target(%dma_start3A_71 : memref<640x64xf32, #tpu.memory_space<hbm>>) target_semaphore(%run_scoped3A : memref<!tpu.dma_semaphore, #tpu.memory_space<semaphore_mem>>)
      %dma_wait3A_74 = arith.constant 0 : i32
      %dma_wait3A_75 = tpu.memref_slice %arg6[%arg0, %mul3A_2, %dma_wait3A_74] : memref<2x10240x64xf32, #tpu.memory_space<hbm>> -> memref<1x640x64xf32, #tpu.memory_space<hbm>>
      %dma_wait3A_76 = tpu.memref_squeeze %dma_wait3A_75 : memref<1x640x64xf32, #tpu.memory_space<hbm>> -> memref<640x64xf32, #tpu.memory_space<hbm>>
      %dma_wait3A_77 = arith.constant 0 : i32
      %dma_wait3A_78 = tpu.memref_slice %arg14[%mul3A_2, %dma_wait3A_77] : memref<10240x64xf32, #tpu.memory_space<vmem_shared>> -> memref<640x64xf32, #tpu.memory_space<vmem_shared>>
      tpu.wait_dma2 semaphore(%run_scoped3A : memref<!tpu.dma_semaphore, #tpu.memory_space<semaphore_mem>>) src(%dma_wait3A_78 : memref<640x64xf32, #tpu.memory_space<vmem_shared>>) dst(%dma_wait3A_76 : memref<640x64xf32, #tpu.memory_space<hbm>>)
      tpu.yield
    }) : () -> ()
    return
  }
}

#map = affine_map<(d0, d1) -> (0, 0)>
#map1 = affine_map<(d0, d1) -> (0, 0, 0)>
module attributes {stable_mosaic.version = 14 : i64} {
  func.func @msg_kernel(%arg0: i32, %arg1: i32, %arg2: memref<10240x64xf32, #tpu.memory_space<hbm>>, %arg3: memref<32x80x128xi32, #tpu.memory_space<hbm>>, %arg4: memref<32x80x128xi32, #tpu.memory_space<hbm>>, %arg5: memref<640x64xf32, #tpu.memory_space<hbm>>, %arg6: memref<2x10240x64xf32, #tpu.memory_space<hbm>>, %arg7: memref<80x128xi32, #tpu.memory_space<vmem>>, %arg8: memref<80x128xi32, #tpu.memory_space<vmem>>, %arg9: memref<128x64xf32, #tpu.memory_space<vmem>>, %arg10: memref<128x64xf32, #tpu.memory_space<vmem>>, %arg11: memref<!tpu.dma_semaphore, #tpu.memory_space<semaphore_mem>>, %arg12: memref<!tpu.dma_semaphore, #tpu.memory_space<semaphore_mem>>, %arg13: memref<!tpu.dma_semaphore, #tpu.memory_space<semaphore_mem>>, %arg14: memref<10240x64xf32, #tpu.memory_space<vmem_shared>>, %arg15: memref<10240x64xf32, #tpu.memory_space<vmem_shared>>) attributes {dimension_semantics = [#tpu.dimension_semantics<core_parallel>, #tpu.dimension_semantics<subcore_parallel>], iteration_bounds = array<i64: 2, 16>, scalar_prefetch = 0 : i64, scratch_operands = 9 : i64, tpu.core_type = #tpu.core_type<sc_vector_subcore>, window_params = [{transform_indices = #map}, {transform_indices = #map1}, {transform_indices = #map1}, {transform_indices = #map}, {transform_indices = #map1}]} {
    %mul3A = arith.constant 2 : i32
    %mul3A_0 = arith.muli %arg1, %mul3A : i32
    %add3A = arith.addi %mul3A_0, %arg0 : i32
    %mul3A_1 = arith.constant 640 : i32
    %mul3A_2 = arith.muli %arg1, %mul3A_1 : i32
    "tpu.region"() ({
      %run_scoped3A = tpu.sem_alloc : memref<!tpu.dma_semaphore, #tpu.memory_space<semaphore_mem>>
      %dma_start3A_69 = arith.constant 0 : i32
      %dma_start3A_70 = arith.constant 0 : i32
      %dma_start3A_71 = tpu.memref_slice %arg3[%add3A, %dma_start3A_69, %dma_start3A_70] : memref<32x80x128xi32, #tpu.memory_space<hbm>> -> memref<1x80x128xi32, #tpu.memory_space<hbm>>
      %dma_start3A_72 = tpu.memref_squeeze %dma_start3A_71 : memref<1x80x128xi32, #tpu.memory_space<hbm>> -> memref<80x128xi32, #tpu.memory_space<hbm>>
      %dma_start3A_73 = arith.constant 0 : i32
      %dma_start3A_74 = arith.constant 0 : i32
      %dma_start3A_75 = tpu.memref_slice %arg3[%add3A, %dma_start3A_73, %dma_start3A_74] : memref<32x80x128xi32, #tpu.memory_space<hbm>> -> memref<1x80x128xi32, #tpu.memory_space<hbm>>
      %dma_start3A_76 = tpu.memref_squeeze %dma_start3A_75 : memref<1x80x128xi32, #tpu.memory_space<hbm>> -> memref<80x128xi32, #tpu.memory_space<hbm>>
      tpu.enqueue_dma source(%dma_start3A_76 : memref<80x128xi32, #tpu.memory_space<hbm>>) target(%arg7 : memref<80x128xi32, #tpu.memory_space<vmem>>) target_semaphore(%run_scoped3A : memref<!tpu.dma_semaphore, #tpu.memory_space<semaphore_mem>>)
      %dma_wait3A_77 = arith.constant 0 : i32
      %dma_wait3A_78 = arith.constant 0 : i32
      %dma_wait3A_79 = tpu.memref_slice %arg3[%add3A, %dma_wait3A_77, %dma_wait3A_78] : memref<32x80x128xi32, #tpu.memory_space<hbm>> -> memref<1x80x128xi32, #tpu.memory_space<hbm>>
      %dma_wait3A_80 = tpu.memref_squeeze %dma_wait3A_79 : memref<1x80x128xi32, #tpu.memory_space<hbm>> -> memref<80x128xi32, #tpu.memory_space<hbm>>
      %dma_wait3A_81 = arith.constant 0 : i32
      %dma_wait3A_82 = arith.constant 0 : i32
      %dma_wait3A_83 = tpu.memref_slice %arg3[%add3A, %dma_wait3A_81, %dma_wait3A_82] : memref<32x80x128xi32, #tpu.memory_space<hbm>> -> memref<1x80x128xi32, #tpu.memory_space<hbm>>
      %dma_wait3A_84 = tpu.memref_squeeze %dma_wait3A_83 : memref<1x80x128xi32, #tpu.memory_space<hbm>> -> memref<80x128xi32, #tpu.memory_space<hbm>>
      tpu.wait_dma2 semaphore(%run_scoped3A : memref<!tpu.dma_semaphore, #tpu.memory_space<semaphore_mem>>) src(%dma_wait3A_84 : memref<80x128xi32, #tpu.memory_space<hbm>>) dst(%arg7 : memref<80x128xi32, #tpu.memory_space<vmem>>)
      tpu.yield
    }) : () -> ()
    "tpu.region"() ({
      %run_scoped3A = tpu.sem_alloc : memref<!tpu.dma_semaphore, #tpu.memory_space<semaphore_mem>>
      %dma_start3A_69 = arith.constant 0 : i32
      %dma_start3A_70 = arith.constant 0 : i32
      %dma_start3A_71 = tpu.memref_slice %arg4[%add3A, %dma_start3A_69, %dma_start3A_70] : memref<32x80x128xi32, #tpu.memory_space<hbm>> -> memref<1x80x128xi32, #tpu.memory_space<hbm>>
      %dma_start3A_72 = tpu.memref_squeeze %dma_start3A_71 : memref<1x80x128xi32, #tpu.memory_space<hbm>> -> memref<80x128xi32, #tpu.memory_space<hbm>>
      %dma_start3A_73 = arith.constant 0 : i32
      %dma_start3A_74 = arith.constant 0 : i32
      %dma_start3A_75 = tpu.memref_slice %arg4[%add3A, %dma_start3A_73, %dma_start3A_74] : memref<32x80x128xi32, #tpu.memory_space<hbm>> -> memref<1x80x128xi32, #tpu.memory_space<hbm>>
      %dma_start3A_76 = tpu.memref_squeeze %dma_start3A_75 : memref<1x80x128xi32, #tpu.memory_space<hbm>> -> memref<80x128xi32, #tpu.memory_space<hbm>>
      tpu.enqueue_dma source(%dma_start3A_76 : memref<80x128xi32, #tpu.memory_space<hbm>>) target(%arg8 : memref<80x128xi32, #tpu.memory_space<vmem>>) target_semaphore(%run_scoped3A : memref<!tpu.dma_semaphore, #tpu.memory_space<semaphore_mem>>)
      %dma_wait3A_77 = arith.constant 0 : i32
      %dma_wait3A_78 = arith.constant 0 : i32
      %dma_wait3A_79 = tpu.memref_slice %arg4[%add3A, %dma_wait3A_77, %dma_wait3A_78] : memref<32x80x128xi32, #tpu.memory_space<hbm>> -> memref<1x80x128xi32, #tpu.memory_space<hbm>>
      %dma_wait3A_80 = tpu.memref_squeeze %dma_wait3A_79 : memref<1x80x128xi32, #tpu.memory_space<hbm>> -> memref<80x128xi32, #tpu.memory_space<hbm>>
      %dma_wait3A_81 = arith.constant 0 : i32
      %dma_wait3A_82 = arith.constant 0 : i32
      %dma_wait3A_83 = tpu.memref_slice %arg4[%add3A, %dma_wait3A_81, %dma_wait3A_82] : memref<32x80x128xi32, #tpu.memory_space<hbm>> -> memref<1x80x128xi32, #tpu.memory_space<hbm>>
      %dma_wait3A_84 = tpu.memref_squeeze %dma_wait3A_83 : memref<1x80x128xi32, #tpu.memory_space<hbm>> -> memref<80x128xi32, #tpu.memory_space<hbm>>
      tpu.wait_dma2 semaphore(%run_scoped3A : memref<!tpu.dma_semaphore, #tpu.memory_space<semaphore_mem>>) src(%dma_wait3A_84 : memref<80x128xi32, #tpu.memory_space<hbm>>) dst(%arg8 : memref<80x128xi32, #tpu.memory_space<vmem>>)
      tpu.yield
    }) : () -> ()
    "tpu.region"() ({
      %run_scoped3A = tpu.sem_alloc : memref<!tpu.dma_semaphore, #tpu.memory_space<semaphore_mem>>
      %dma_start3A_69 = arith.constant 0 : i32
      %dma_start3A_70 = tpu.memref_slice %arg15[%mul3A_2, %dma_start3A_69] : memref<10240x64xf32, #tpu.memory_space<vmem_shared>> -> memref<640x64xf32, #tpu.memory_space<vmem_shared>>
      %dma_start3A_71 = arith.constant 0 : i32
      %dma_start3A_72 = tpu.memref_slice %arg2[%mul3A_2, %dma_start3A_71] : memref<10240x64xf32, #tpu.memory_space<hbm>> -> memref<640x64xf32, #tpu.memory_space<hbm>>
      tpu.enqueue_dma source(%dma_start3A_72 : memref<640x64xf32, #tpu.memory_space<hbm>>) target(%dma_start3A_70 : memref<640x64xf32, #tpu.memory_space<vmem_shared>>) target_semaphore(%run_scoped3A : memref<!tpu.dma_semaphore, #tpu.memory_space<semaphore_mem>>)
      %dma_wait3A_73 = arith.constant 0 : i32
      %dma_wait3A_74 = tpu.memref_slice %arg15[%mul3A_2, %dma_wait3A_73] : memref<10240x64xf32, #tpu.memory_space<vmem_shared>> -> memref<640x64xf32, #tpu.memory_space<vmem_shared>>
      %dma_wait3A_75 = arith.constant 0 : i32
      %dma_wait3A_76 = tpu.memref_slice %arg2[%mul3A_2, %dma_wait3A_75] : memref<10240x64xf32, #tpu.memory_space<hbm>> -> memref<640x64xf32, #tpu.memory_space<hbm>>
      tpu.wait_dma2 semaphore(%run_scoped3A : memref<!tpu.dma_semaphore, #tpu.memory_space<semaphore_mem>>) src(%dma_wait3A_76 : memref<640x64xf32, #tpu.memory_space<hbm>>) dst(%dma_wait3A_74 : memref<640x64xf32, #tpu.memory_space<vmem_shared>>)
      tpu.yield
    }) : () -> ()
    %eq3A = arith.constant 0 : i32
    %eq3A_3 = arith.cmpi eq, %arg0, %eq3A : i32
    %convert_element_type3A = arith.extui %eq3A_3 : i1 to i32
    %cond3A = arith.constant 0 : i32
    %cond3A_4 = arith.cmpi ne, %convert_element_type3A, %cond3A : i32
    scf.if %cond3A_4 {
      "tpu.region"() ({
        %run_scoped3A = tpu.sem_alloc : memref<!tpu.dma_semaphore, #tpu.memory_space<semaphore_mem>>
        %dma_start3A_69 = arith.constant 0 : i32
        %dma_start3A_70 = tpu.memref_slice %arg14[%mul3A_2, %dma_start3A_69] : memref<10240x64xf32, #tpu.memory_space<vmem_shared>> -> memref<640x64xf32, #tpu.memory_space<vmem_shared>>
        %dma_start3A_71 = arith.constant 0 : i32
        %dma_start3A_72 = tpu.memref_slice %arg2[%mul3A_2, %dma_start3A_71] : memref<10240x64xf32, #tpu.memory_space<hbm>> -> memref<640x64xf32, #tpu.memory_space<hbm>>
        tpu.enqueue_dma source(%dma_start3A_72 : memref<640x64xf32, #tpu.memory_space<hbm>>) target(%dma_start3A_70 : memref<640x64xf32, #tpu.memory_space<vmem_shared>>) target_semaphore(%run_scoped3A : memref<!tpu.dma_semaphore, #tpu.memory_space<semaphore_mem>>)
        %dma_wait3A_73 = arith.constant 0 : i32
        %dma_wait3A_74 = tpu.memref_slice %arg14[%mul3A_2, %dma_wait3A_73] : memref<10240x64xf32, #tpu.memory_space<vmem_shared>> -> memref<640x64xf32, #tpu.memory_space<vmem_shared>>
        %dma_wait3A_75 = arith.constant 0 : i32
        %dma_wait3A_76 = tpu.memref_slice %arg2[%mul3A_2, %dma_wait3A_75] : memref<10240x64xf32, #tpu.memory_space<hbm>> -> memref<640x64xf32, #tpu.memory_space<hbm>>
        tpu.wait_dma2 semaphore(%run_scoped3A : memref<!tpu.dma_semaphore, #tpu.memory_space<semaphore_mem>>) src(%dma_wait3A_76 : memref<640x64xf32, #tpu.memory_space<hbm>>) dst(%dma_wait3A_74 : memref<640x64xf32, #tpu.memory_space<vmem_shared>>)
        tpu.yield
      }) : () -> ()
    } else {
    }
    %ne3A = arith.constant 0 : i32
    %ne3A_5 = arith.cmpi ne, %arg0, %ne3A : i32
    %convert_element_type3A_6 = arith.extui %ne3A_5 : i1 to i32
    %cond3A_7 = arith.constant 0 : i32
    %cond3A_8 = arith.cmpi ne, %convert_element_type3A_6, %cond3A_7 : i32
    scf.if %cond3A_8 {
      "tpu.region"() ({
        %run_scoped3A = tpu.sem_alloc : memref<!tpu.dma_semaphore, #tpu.memory_space<semaphore_mem>>
        %dma_start3A_69 = arith.constant 0 : i32
        %dma_start3A_70 = tpu.memref_slice %arg14[%mul3A_2, %dma_start3A_69] : memref<10240x64xf32, #tpu.memory_space<vmem_shared>> -> memref<640x64xf32, #tpu.memory_space<vmem_shared>>
        tpu.enqueue_dma source(%arg5 : memref<640x64xf32, #tpu.memory_space<hbm>>) target(%dma_start3A_70 : memref<640x64xf32, #tpu.memory_space<vmem_shared>>) target_semaphore(%run_scoped3A : memref<!tpu.dma_semaphore, #tpu.memory_space<semaphore_mem>>)
        %dma_wait3A_71 = arith.constant 0 : i32
        %dma_wait3A_72 = tpu.memref_slice %arg14[%mul3A_2, %dma_wait3A_71] : memref<10240x64xf32, #tpu.memory_space<vmem_shared>> -> memref<640x64xf32, #tpu.memory_space<vmem_shared>>
        tpu.wait_dma2 semaphore(%run_scoped3A : memref<!tpu.dma_semaphore, #tpu.memory_space<semaphore_mem>>) src(%arg5 : memref<640x64xf32, #tpu.memory_space<hbm>>) dst(%dma_wait3A_72 : memref<640x64xf32, #tpu.memory_space<vmem_shared>>)
        tpu.yield
      }) : () -> ()
    } else {
    }
    %barrier3A = arith.constant 0 : index
    tpu.barrier barrier_id(%barrier3A)
    %dma_start3A = arith.constant 0 : i32
    %dma_start3A_9 = arith.constant 0 : i32
    %dma_start3A_10 = tpu.memref_slice %arg7[%dma_start3A, %dma_start3A_9] : memref<80x128xi32, #tpu.memory_space<vmem>> -> memref<1x128xi32, #tpu.memory_space<vmem>>
    %dma_start3A_11 = tpu.memref_squeeze %dma_start3A_10 : memref<1x128xi32, #tpu.memory_space<vmem>> -> memref<128xi32, #tpu.memory_space<vmem>>
    %dma_start3A_12 = arith.constant 0 : i32
    %dma_start3A_13 = arith.constant 0 : i32
    %dma_start3A_14 = tpu.memref_slice %arg15[%dma_start3A_12, %dma_start3A_13] : memref<10240x64xf32, #tpu.memory_space<vmem_shared>> -> memref<10240x64xf32, #tpu.memory_space<vmem_shared>>
    tpu.enqueue_indirect_dma source(%dma_start3A_14 : memref<10240x64xf32, #tpu.memory_space<vmem_shared>>) target(%arg9 : memref<128x64xf32, #tpu.memory_space<vmem>>) offsets(%dma_start3A_11 : memref<128xi32, #tpu.memory_space<vmem>>) semaphore(%arg13 : memref<!tpu.dma_semaphore, #tpu.memory_space<semaphore_mem>>)
    %dma_wait3A = arith.constant 0 : i32
    %dma_wait3A_15 = arith.constant 0 : i32
    %dma_wait3A_16 = tpu.memref_slice %arg7[%dma_wait3A, %dma_wait3A_15] : memref<80x128xi32, #tpu.memory_space<vmem>> -> memref<1x128xi32, #tpu.memory_space<vmem>>
    %dma_wait3A_17 = tpu.memref_squeeze %dma_wait3A_16 : memref<1x128xi32, #tpu.memory_space<vmem>> -> memref<128xi32, #tpu.memory_space<vmem>>
    %dma_wait3A_18 = arith.constant 0 : i32
    %dma_wait3A_19 = arith.constant 0 : i32
    %dma_wait3A_20 = tpu.memref_slice %arg15[%dma_wait3A_18, %dma_wait3A_19] : memref<10240x64xf32, #tpu.memory_space<vmem_shared>> -> memref<10240x64xf32, #tpu.memory_space<vmem_shared>>
    tpu.wait_indirect_dma semaphore(%arg13 : memref<!tpu.dma_semaphore, #tpu.memory_space<semaphore_mem>>) src(%dma_wait3A_20 : memref<10240x64xf32, #tpu.memory_space<vmem_shared>>) dst(%arg9 : memref<128x64xf32, #tpu.memory_space<vmem>>)
    %dma_start3A_21 = arith.constant 0 : i32
    %dma_start3A_22 = arith.constant 0 : i32
    %dma_start3A_23 = tpu.memref_slice %arg8[%dma_start3A_21, %dma_start3A_22] : memref<80x128xi32, #tpu.memory_space<vmem>> -> memref<1x128xi32, #tpu.memory_space<vmem>>
    %dma_start3A_24 = tpu.memref_squeeze %dma_start3A_23 : memref<1x128xi32, #tpu.memory_space<vmem>> -> memref<128xi32, #tpu.memory_space<vmem>>
    %dma_start3A_25 = arith.constant 0 : i32
    %dma_start3A_26 = arith.constant 0 : i32
    %dma_start3A_27 = tpu.memref_slice %arg14[%dma_start3A_25, %dma_start3A_26] : memref<10240x64xf32, #tpu.memory_space<vmem_shared>> -> memref<10240x64xf32, #tpu.memory_space<vmem_shared>>
    tpu.enqueue_indirect_dma source(%arg9 : memref<128x64xf32, #tpu.memory_space<vmem>>) target(%dma_start3A_27 : memref<10240x64xf32, #tpu.memory_space<vmem_shared>>) offsets(%dma_start3A_24 : memref<128xi32, #tpu.memory_space<vmem>>) semaphore(%arg11 : memref<!tpu.dma_semaphore, #tpu.memory_space<semaphore_mem>>) {add = true}
    %dma_start3A_28 = arith.constant 1 : i32
    %dma_start3A_29 = arith.constant 0 : i32
    %dma_start3A_30 = tpu.memref_slice %arg7[%dma_start3A_28, %dma_start3A_29] : memref<80x128xi32, #tpu.memory_space<vmem>> -> memref<1x128xi32, #tpu.memory_space<vmem>>
    %dma_start3A_31 = tpu.memref_squeeze %dma_start3A_30 : memref<1x128xi32, #tpu.memory_space<vmem>> -> memref<128xi32, #tpu.memory_space<vmem>>
    %dma_start3A_32 = arith.constant 0 : i32
    %dma_start3A_33 = arith.constant 0 : i32
    %dma_start3A_34 = tpu.memref_slice %arg15[%dma_start3A_32, %dma_start3A_33] : memref<10240x64xf32, #tpu.memory_space<vmem_shared>> -> memref<10240x64xf32, #tpu.memory_space<vmem_shared>>
    tpu.enqueue_indirect_dma source(%dma_start3A_34 : memref<10240x64xf32, #tpu.memory_space<vmem_shared>>) target(%arg10 : memref<128x64xf32, #tpu.memory_space<vmem>>) offsets(%dma_start3A_31 : memref<128xi32, #tpu.memory_space<vmem>>) semaphore(%arg13 : memref<!tpu.dma_semaphore, #tpu.memory_space<semaphore_mem>>)
    %dma_wait3A_35 = arith.constant 1 : i32
    %dma_wait3A_36 = arith.constant 0 : i32
    %dma_wait3A_37 = tpu.memref_slice %arg7[%dma_wait3A_35, %dma_wait3A_36] : memref<80x128xi32, #tpu.memory_space<vmem>> -> memref<1x128xi32, #tpu.memory_space<vmem>>
    %dma_wait3A_38 = tpu.memref_squeeze %dma_wait3A_37 : memref<1x128xi32, #tpu.memory_space<vmem>> -> memref<128xi32, #tpu.memory_space<vmem>>
    %dma_wait3A_39 = arith.constant 0 : i32
    %dma_wait3A_40 = arith.constant 0 : i32
    %dma_wait3A_41 = tpu.memref_slice %arg15[%dma_wait3A_39, %dma_wait3A_40] : memref<10240x64xf32, #tpu.memory_space<vmem_shared>> -> memref<10240x64xf32, #tpu.memory_space<vmem_shared>>
    tpu.wait_indirect_dma semaphore(%arg13 : memref<!tpu.dma_semaphore, #tpu.memory_space<semaphore_mem>>) src(%dma_wait3A_41 : memref<10240x64xf32, #tpu.memory_space<vmem_shared>>) dst(%arg10 : memref<128x64xf32, #tpu.memory_space<vmem>>)
    %dma_start3A_42 = arith.constant 1 : i32
    %dma_start3A_43 = arith.constant 0 : i32
    %dma_start3A_44 = tpu.memref_slice %arg8[%dma_start3A_42, %dma_start3A_43] : memref<80x128xi32, #tpu.memory_space<vmem>> -> memref<1x128xi32, #tpu.memory_space<vmem>>
    %dma_start3A_45 = tpu.memref_squeeze %dma_start3A_44 : memref<1x128xi32, #tpu.memory_space<vmem>> -> memref<128xi32, #tpu.memory_space<vmem>>
    %dma_start3A_46 = arith.constant 0 : i32
    %dma_start3A_47 = arith.constant 0 : i32
    %dma_start3A_48 = tpu.memref_slice %arg14[%dma_start3A_46, %dma_start3A_47] : memref<10240x64xf32, #tpu.memory_space<vmem_shared>> -> memref<10240x64xf32, #tpu.memory_space<vmem_shared>>
    tpu.enqueue_indirect_dma source(%arg10 : memref<128x64xf32, #tpu.memory_space<vmem>>) target(%dma_start3A_48 : memref<10240x64xf32, #tpu.memory_space<vmem_shared>>) offsets(%dma_start3A_45 : memref<128xi32, #tpu.memory_space<vmem>>) semaphore(%arg12 : memref<!tpu.dma_semaphore, #tpu.memory_space<semaphore_mem>>) {add = true}
    %scan3A = arith.constant 0 : i32
    %scan3A_49 = arith.constant 1 : i32
    %scan3A_50 = arith.constant 39 : i32
    %scan3A_51 = arith.addi %scan3A_49, %scan3A_50 : i32
    %scan3A_52 = arith.constant 1 : i32
    scf.for %scan3A_69 = %scan3A_49 to %scan3A_51 step %scan3A_52  : i32 {
      %mul3A_70 = arith.constant 2 : i32
      %mul3A_71 = arith.muli %scan3A_69, %mul3A_70 : i32
      %add3A_72 = arith.constant 0 : i32
      %add3A_73 = arith.addi %mul3A_71, %add3A_72 : i32
      %sub3A = arith.constant 2 : i32
      %sub3A_74 = arith.subi %add3A_73, %sub3A : i32
      %dma_wait3A_75 = arith.constant 0 : i32
      %dma_wait3A_76 = tpu.memref_slice %arg8[%sub3A_74, %dma_wait3A_75] : memref<80x128xi32, #tpu.memory_space<vmem>> -> memref<1x128xi32, #tpu.memory_space<vmem>>
      %dma_wait3A_77 = tpu.memref_squeeze %dma_wait3A_76 : memref<1x128xi32, #tpu.memory_space<vmem>> -> memref<128xi32, #tpu.memory_space<vmem>>
      %dma_wait3A_78 = arith.constant 0 : i32
      %dma_wait3A_79 = arith.constant 0 : i32
      %dma_wait3A_80 = tpu.memref_slice %arg14[%dma_wait3A_78, %dma_wait3A_79] : memref<10240x64xf32, #tpu.memory_space<vmem_shared>> -> memref<10240x64xf32, #tpu.memory_space<vmem_shared>>
      tpu.wait_indirect_dma semaphore(%arg11 : memref<!tpu.dma_semaphore, #tpu.memory_space<semaphore_mem>>) src(%arg9 : memref<128x64xf32, #tpu.memory_space<vmem>>) dst(%dma_wait3A_80 : memref<10240x64xf32, #tpu.memory_space<vmem_shared>>)
      %dma_start3A_81 = arith.constant 0 : i32
      %dma_start3A_82 = tpu.memref_slice %arg7[%add3A_73, %dma_start3A_81] : memref<80x128xi32, #tpu.memory_space<vmem>> -> memref<1x128xi32, #tpu.memory_space<vmem>>
      %dma_start3A_83 = tpu.memref_squeeze %dma_start3A_82 : memref<1x128xi32, #tpu.memory_space<vmem>> -> memref<128xi32, #tpu.memory_space<vmem>>
      %dma_start3A_84 = arith.constant 0 : i32
      %dma_start3A_85 = arith.constant 0 : i32
      %dma_start3A_86 = tpu.memref_slice %arg15[%dma_start3A_84, %dma_start3A_85] : memref<10240x64xf32, #tpu.memory_space<vmem_shared>> -> memref<10240x64xf32, #tpu.memory_space<vmem_shared>>
      tpu.enqueue_indirect_dma source(%dma_start3A_86 : memref<10240x64xf32, #tpu.memory_space<vmem_shared>>) target(%arg9 : memref<128x64xf32, #tpu.memory_space<vmem>>) offsets(%dma_start3A_83 : memref<128xi32, #tpu.memory_space<vmem>>) semaphore(%arg13 : memref<!tpu.dma_semaphore, #tpu.memory_space<semaphore_mem>>)
      %dma_wait3A_87 = arith.constant 0 : i32
      %dma_wait3A_88 = tpu.memref_slice %arg7[%add3A_73, %dma_wait3A_87] : memref<80x128xi32, #tpu.memory_space<vmem>> -> memref<1x128xi32, #tpu.memory_space<vmem>>
      %dma_wait3A_89 = tpu.memref_squeeze %dma_wait3A_88 : memref<1x128xi32, #tpu.memory_space<vmem>> -> memref<128xi32, #tpu.memory_space<vmem>>
      %dma_wait3A_90 = arith.constant 0 : i32
      %dma_wait3A_91 = arith.constant 0 : i32
      %dma_wait3A_92 = tpu.memref_slice %arg15[%dma_wait3A_90, %dma_wait3A_91] : memref<10240x64xf32, #tpu.memory_space<vmem_shared>> -> memref<10240x64xf32, #tpu.memory_space<vmem_shared>>
      tpu.wait_indirect_dma semaphore(%arg13 : memref<!tpu.dma_semaphore, #tpu.memory_space<semaphore_mem>>) src(%dma_wait3A_92 : memref<10240x64xf32, #tpu.memory_space<vmem_shared>>) dst(%arg9 : memref<128x64xf32, #tpu.memory_space<vmem>>)
      %dma_start3A_93 = arith.constant 0 : i32
      %dma_start3A_94 = tpu.memref_slice %arg8[%add3A_73, %dma_start3A_93] : memref<80x128xi32, #tpu.memory_space<vmem>> -> memref<1x128xi32, #tpu.memory_space<vmem>>
      %dma_start3A_95 = tpu.memref_squeeze %dma_start3A_94 : memref<1x128xi32, #tpu.memory_space<vmem>> -> memref<128xi32, #tpu.memory_space<vmem>>
      %dma_start3A_96 = arith.constant 0 : i32
      %dma_start3A_97 = arith.constant 0 : i32
      %dma_start3A_98 = tpu.memref_slice %arg14[%dma_start3A_96, %dma_start3A_97] : memref<10240x64xf32, #tpu.memory_space<vmem_shared>> -> memref<10240x64xf32, #tpu.memory_space<vmem_shared>>
      tpu.enqueue_indirect_dma source(%arg9 : memref<128x64xf32, #tpu.memory_space<vmem>>) target(%dma_start3A_98 : memref<10240x64xf32, #tpu.memory_space<vmem_shared>>) offsets(%dma_start3A_95 : memref<128xi32, #tpu.memory_space<vmem>>) semaphore(%arg11 : memref<!tpu.dma_semaphore, #tpu.memory_space<semaphore_mem>>) {add = true}
      %add3A_99 = arith.constant 1 : i32
      %add3A_100 = arith.addi %mul3A_71, %add3A_99 : i32
      %sub3A_101 = arith.constant 2 : i32
      %sub3A_102 = arith.subi %add3A_100, %sub3A_101 : i32
      %dma_wait3A_103 = arith.constant 0 : i32
      %dma_wait3A_104 = tpu.memref_slice %arg8[%sub3A_102, %dma_wait3A_103] : memref<80x128xi32, #tpu.memory_space<vmem>> -> memref<1x128xi32, #tpu.memory_space<vmem>>
      %dma_wait3A_105 = tpu.memref_squeeze %dma_wait3A_104 : memref<1x128xi32, #tpu.memory_space<vmem>> -> memref<128xi32, #tpu.memory_space<vmem>>
      %dma_wait3A_106 = arith.constant 0 : i32
      %dma_wait3A_107 = arith.constant 0 : i32
      %dma_wait3A_108 = tpu.memref_slice %arg14[%dma_wait3A_106, %dma_wait3A_107] : memref<10240x64xf32, #tpu.memory_space<vmem_shared>> -> memref<10240x64xf32, #tpu.memory_space<vmem_shared>>
      tpu.wait_indirect_dma semaphore(%arg12 : memref<!tpu.dma_semaphore, #tpu.memory_space<semaphore_mem>>) src(%arg10 : memref<128x64xf32, #tpu.memory_space<vmem>>) dst(%dma_wait3A_108 : memref<10240x64xf32, #tpu.memory_space<vmem_shared>>)
      %dma_start3A_109 = arith.constant 0 : i32
      %dma_start3A_110 = tpu.memref_slice %arg7[%add3A_100, %dma_start3A_109] : memref<80x128xi32, #tpu.memory_space<vmem>> -> memref<1x128xi32, #tpu.memory_space<vmem>>
      %dma_start3A_111 = tpu.memref_squeeze %dma_start3A_110 : memref<1x128xi32, #tpu.memory_space<vmem>> -> memref<128xi32, #tpu.memory_space<vmem>>
      %dma_start3A_112 = arith.constant 0 : i32
      %dma_start3A_113 = arith.constant 0 : i32
      %dma_start3A_114 = tpu.memref_slice %arg15[%dma_start3A_112, %dma_start3A_113] : memref<10240x64xf32, #tpu.memory_space<vmem_shared>> -> memref<10240x64xf32, #tpu.memory_space<vmem_shared>>
      tpu.enqueue_indirect_dma source(%dma_start3A_114 : memref<10240x64xf32, #tpu.memory_space<vmem_shared>>) target(%arg10 : memref<128x64xf32, #tpu.memory_space<vmem>>) offsets(%dma_start3A_111 : memref<128xi32, #tpu.memory_space<vmem>>) semaphore(%arg13 : memref<!tpu.dma_semaphore, #tpu.memory_space<semaphore_mem>>)
      %dma_wait3A_115 = arith.constant 0 : i32
      %dma_wait3A_116 = tpu.memref_slice %arg7[%add3A_100, %dma_wait3A_115] : memref<80x128xi32, #tpu.memory_space<vmem>> -> memref<1x128xi32, #tpu.memory_space<vmem>>
      %dma_wait3A_117 = tpu.memref_squeeze %dma_wait3A_116 : memref<1x128xi32, #tpu.memory_space<vmem>> -> memref<128xi32, #tpu.memory_space<vmem>>
      %dma_wait3A_118 = arith.constant 0 : i32
      %dma_wait3A_119 = arith.constant 0 : i32
      %dma_wait3A_120 = tpu.memref_slice %arg15[%dma_wait3A_118, %dma_wait3A_119] : memref<10240x64xf32, #tpu.memory_space<vmem_shared>> -> memref<10240x64xf32, #tpu.memory_space<vmem_shared>>
      tpu.wait_indirect_dma semaphore(%arg13 : memref<!tpu.dma_semaphore, #tpu.memory_space<semaphore_mem>>) src(%dma_wait3A_120 : memref<10240x64xf32, #tpu.memory_space<vmem_shared>>) dst(%arg10 : memref<128x64xf32, #tpu.memory_space<vmem>>)
      %dma_start3A_121 = arith.constant 0 : i32
      %dma_start3A_122 = tpu.memref_slice %arg8[%add3A_100, %dma_start3A_121] : memref<80x128xi32, #tpu.memory_space<vmem>> -> memref<1x128xi32, #tpu.memory_space<vmem>>
      %dma_start3A_123 = tpu.memref_squeeze %dma_start3A_122 : memref<1x128xi32, #tpu.memory_space<vmem>> -> memref<128xi32, #tpu.memory_space<vmem>>
      %dma_start3A_124 = arith.constant 0 : i32
      %dma_start3A_125 = arith.constant 0 : i32
      %dma_start3A_126 = tpu.memref_slice %arg14[%dma_start3A_124, %dma_start3A_125] : memref<10240x64xf32, #tpu.memory_space<vmem_shared>> -> memref<10240x64xf32, #tpu.memory_space<vmem_shared>>
      tpu.enqueue_indirect_dma source(%arg10 : memref<128x64xf32, #tpu.memory_space<vmem>>) target(%dma_start3A_126 : memref<10240x64xf32, #tpu.memory_space<vmem_shared>>) offsets(%dma_start3A_123 : memref<128xi32, #tpu.memory_space<vmem>>) semaphore(%arg12 : memref<!tpu.dma_semaphore, #tpu.memory_space<semaphore_mem>>) {add = true}
    }
    %scan3A_53 = arith.constant 39 : i32
    %dma_wait3A_54 = arith.constant 78 : i32
    %dma_wait3A_55 = arith.constant 0 : i32
    %dma_wait3A_56 = tpu.memref_slice %arg8[%dma_wait3A_54, %dma_wait3A_55] : memref<80x128xi32, #tpu.memory_space<vmem>> -> memref<1x128xi32, #tpu.memory_space<vmem>>
    %dma_wait3A_57 = tpu.memref_squeeze %dma_wait3A_56 : memref<1x128xi32, #tpu.memory_space<vmem>> -> memref<128xi32, #tpu.memory_space<vmem>>
    %dma_wait3A_58 = arith.constant 0 : i32
    %dma_wait3A_59 = arith.constant 0 : i32
    %dma_wait3A_60 = tpu.memref_slice %arg14[%dma_wait3A_58, %dma_wait3A_59] : memref<10240x64xf32, #tpu.memory_space<vmem_shared>> -> memref<10240x64xf32, #tpu.memory_space<vmem_shared>>
    tpu.wait_indirect_dma semaphore(%arg11 : memref<!tpu.dma_semaphore, #tpu.memory_space<semaphore_mem>>) src(%arg9 : memref<128x64xf32, #tpu.memory_space<vmem>>) dst(%dma_wait3A_60 : memref<10240x64xf32, #tpu.memory_space<vmem_shared>>)
    %dma_wait3A_61 = arith.constant 79 : i32
    %dma_wait3A_62 = arith.constant 0 : i32
    %dma_wait3A_63 = tpu.memref_slice %arg8[%dma_wait3A_61, %dma_wait3A_62] : memref<80x128xi32, #tpu.memory_space<vmem>> -> memref<1x128xi32, #tpu.memory_space<vmem>>
    %dma_wait3A_64 = tpu.memref_squeeze %dma_wait3A_63 : memref<1x128xi32, #tpu.memory_space<vmem>> -> memref<128xi32, #tpu.memory_space<vmem>>
    %dma_wait3A_65 = arith.constant 0 : i32
    %dma_wait3A_66 = arith.constant 0 : i32
    %dma_wait3A_67 = tpu.memref_slice %arg14[%dma_wait3A_65, %dma_wait3A_66] : memref<10240x64xf32, #tpu.memory_space<vmem_shared>> -> memref<10240x64xf32, #tpu.memory_space<vmem_shared>>
    tpu.wait_indirect_dma semaphore(%arg12 : memref<!tpu.dma_semaphore, #tpu.memory_space<semaphore_mem>>) src(%arg10 : memref<128x64xf32, #tpu.memory_space<vmem>>) dst(%dma_wait3A_67 : memref<10240x64xf32, #tpu.memory_space<vmem_shared>>)
    %barrier3A_68 = arith.constant 0 : index
    tpu.barrier barrier_id(%barrier3A_68)
    "tpu.region"() ({
      %run_scoped3A = tpu.sem_alloc : memref<!tpu.dma_semaphore, #tpu.memory_space<semaphore_mem>>
      %dma_start3A_69 = arith.constant 0 : i32
      %dma_start3A_70 = tpu.memref_slice %arg6[%arg0, %mul3A_2, %dma_start3A_69] : memref<2x10240x64xf32, #tpu.memory_space<hbm>> -> memref<1x640x64xf32, #tpu.memory_space<hbm>>
      %dma_start3A_71 = tpu.memref_squeeze %dma_start3A_70 : memref<1x640x64xf32, #tpu.memory_space<hbm>> -> memref<640x64xf32, #tpu.memory_space<hbm>>
      %dma_start3A_72 = arith.constant 0 : i32
      %dma_start3A_73 = tpu.memref_slice %arg14[%mul3A_2, %dma_start3A_72] : memref<10240x64xf32, #tpu.memory_space<vmem_shared>> -> memref<640x64xf32, #tpu.memory_space<vmem_shared>>
      tpu.enqueue_dma source(%dma_start3A_73 : memref<640x64xf32, #tpu.memory_space<vmem_shared>>) target(%dma_start3A_71 : memref<640x64xf32, #tpu.memory_space<hbm>>) target_semaphore(%run_scoped3A : memref<!tpu.dma_semaphore, #tpu.memory_space<semaphore_mem>>)
      %dma_wait3A_74 = arith.constant 0 : i32
      %dma_wait3A_75 = tpu.memref_slice %arg6[%arg0, %mul3A_2, %dma_wait3A_74] : memref<2x10240x64xf32, #tpu.memory_space<hbm>> -> memref<1x640x64xf32, #tpu.memory_space<hbm>>
      %dma_wait3A_76 = tpu.memref_squeeze %dma_wait3A_75 : memref<1x640x64xf32, #tpu.memory_space<hbm>> -> memref<640x64xf32, #tpu.memory_space<hbm>>
      %dma_wait3A_77 = arith.constant 0 : i32
      %dma_wait3A_78 = tpu.memref_slice %arg14[%mul3A_2, %dma_wait3A_77] : memref<10240x64xf32, #tpu.memory_space<vmem_shared>> -> memref<640x64xf32, #tpu.memory_space<vmem_shared>>
      tpu.wait_dma2 semaphore(%run_scoped3A : memref<!tpu.dma_semaphore, #tpu.memory_space<semaphore_mem>>) src(%dma_wait3A_78 : memref<640x64xf32, #tpu.memory_space<vmem_shared>>) dst(%dma_wait3A_76 : memref<640x64xf32, #tpu.memory_space<hbm>>)
      tpu.yield
    }) : () -> ()
    return
  }
}

module attributes {stable_mosaic.version = 14 : i64} {
  func.func @_tc_first(%arg0: memref<10240x128xf32, #tpu.memory_space<vmem>>, %arg1: memref<128x64xf32, #tpu.memory_space<vmem>>, %arg2: memref<10240x8xf32, #tpu.memory_space<vmem>>, %arg3: memref<10240x8xf32, #tpu.memory_space<vmem>>, %arg4: memref<10240x64xf32, #tpu.memory_space<vmem>>) attributes {dimension_semantics = [], scalar_prefetch = 0 : i64, scratch_operands = 0 : i64, tpu.core_type = #tpu.core_type<tc>} {
    %get3A = arith.constant 0 : index
    %get3A_0 = arith.constant 0 : index
    %get3A_1 = vector.load %arg2[%get3A, %get3A_0] : memref<10240x8xf32, #tpu.memory_space<vmem>>, vector<10240x8xf32>
    %get3A_2 = arith.constant 0 : index
    %get3A_3 = arith.constant 0 : index
    %get3A_4 = vector.load %arg3[%get3A_2, %get3A_3] : memref<10240x8xf32, #tpu.memory_space<vmem>>, vector<10240x8xf32>
    %add3A = arith.addf %get3A_1, %get3A_4 : vector<10240x8xf32>
    %slice3A = vector.extract_strided_slice %add3A {offsets = [0, 0], sizes = [10240, 1], strides = [1, 1]} : vector<10240x8xf32> to vector<10240x1xf32>
    %add3A_5 = arith.constant 1.000000e+00 : f32
    %add3A_6 = vector.broadcast %add3A_5 : f32 to vector<10240x1xf32>
    %add3A_7 = arith.addf %slice3A, %add3A_6 : vector<10240x1xf32>
    %rsqrt3A = math.rsqrt %add3A_7 : vector<10240x1xf32>
    %get3A_8 = arith.constant 0 : index
    %get3A_9 = arith.constant 0 : index
    %get3A_10 = vector.load %arg0[%get3A_8, %get3A_9] : memref<10240x128xf32, #tpu.memory_space<vmem>>, vector<10240x128xf32>
    %get3A_11 = arith.constant 0 : index
    %get3A_12 = arith.constant 0 : index
    %get3A_13 = vector.load %arg1[%get3A_11, %get3A_12] : memref<128x64xf32, #tpu.memory_space<vmem>>, vector<128x64xf32>
    %dot_general3A = arith.constant dense<0.000000e+00> : vector<10240x64xf32>
    %dot_general3A_14 = tpu.matmul %get3A_10, %get3A_13, %dot_general3A {dimension_numbers = #tpu.dot_dimension_numbers<[1], [0], [0], [1], [0, 0, 1, 1], [], []>, transpose_lhs_hint = false} : vector<10240x128xf32>, vector<128x64xf32>, vector<10240x64xf32> -> vector<10240x64xf32>
    %mul3A = vector.broadcast %rsqrt3A : vector<10240x1xf32> to vector<10240x64xf32>
    %mul3A_15 = arith.mulf %dot_general3A_14, %mul3A : vector<10240x64xf32>
    %swap3A = arith.constant 0 : index
    %swap3A_16 = arith.constant 0 : index
    %swap3A_17 = vector.load %arg4[%swap3A, %swap3A_16] : memref<10240x64xf32, #tpu.memory_space<vmem>>, vector<10240x64xf32>
    tpu.vector_store %arg4[%swap3A, %swap3A_16], %mul3A_15 {strides = array<i32>} : memref<10240x64xf32, #tpu.memory_space<vmem>>, vector<10240x64xf32>,
    return
  }
}

module attributes {stable_mosaic.version = 14 : i64} {
  func.func @_tc_mid(%arg0: memref<10240x64xf32, #tpu.memory_space<vmem>>, %arg1: memref<10240x64xf32, #tpu.memory_space<vmem>>, %arg2: memref<10240x8xf32, #tpu.memory_space<vmem>>, %arg3: memref<10240x8xf32, #tpu.memory_space<vmem>>, %arg4: memref<64x64xf32, #tpu.memory_space<vmem>>, %arg5: memref<1x64xf32, #tpu.memory_space<vmem>>, %arg6: memref<10240x64xf32, #tpu.memory_space<vmem>>) attributes {dimension_semantics = [], scalar_prefetch = 0 : i64, scratch_operands = 0 : i64, tpu.core_type = #tpu.core_type<tc>} {
    %get3A = arith.constant 0 : index
    %get3A_0 = arith.constant 0 : index
    %get3A_1 = vector.load %arg2[%get3A, %get3A_0] : memref<10240x8xf32, #tpu.memory_space<vmem>>, vector<10240x8xf32>
    %get3A_2 = arith.constant 0 : index
    %get3A_3 = arith.constant 0 : index
    %get3A_4 = vector.load %arg3[%get3A_2, %get3A_3] : memref<10240x8xf32, #tpu.memory_space<vmem>>, vector<10240x8xf32>
    %add3A = arith.addf %get3A_1, %get3A_4 : vector<10240x8xf32>
    %slice3A = vector.extract_strided_slice %add3A {offsets = [0, 0], sizes = [10240, 1], strides = [1, 1]} : vector<10240x8xf32> to vector<10240x1xf32>
    %add3A_5 = arith.constant 1.000000e+00 : f32
    %add3A_6 = vector.broadcast %add3A_5 : f32 to vector<10240x1xf32>
    %add3A_7 = arith.addf %slice3A, %add3A_6 : vector<10240x1xf32>
    %rsqrt3A = math.rsqrt %add3A_7 : vector<10240x1xf32>
    %get3A_8 = arith.constant 0 : index
    %get3A_9 = arith.constant 0 : index
    %get3A_10 = vector.load %arg0[%get3A_8, %get3A_9] : memref<10240x64xf32, #tpu.memory_space<vmem>>, vector<10240x64xf32>
    %get3A_11 = arith.constant 0 : index
    %get3A_12 = arith.constant 0 : index
    %get3A_13 = vector.load %arg1[%get3A_11, %get3A_12] : memref<10240x64xf32, #tpu.memory_space<vmem>>, vector<10240x64xf32>
    %add3A_14 = arith.addf %get3A_10, %get3A_13 : vector<10240x64xf32>
    %mul3A = vector.broadcast %rsqrt3A : vector<10240x1xf32> to vector<10240x64xf32>
    %mul3A_15 = arith.mulf %add3A_14, %mul3A : vector<10240x64xf32>
    %get3A_16 = arith.constant 0 : index
    %get3A_17 = arith.constant 0 : index
    %get3A_18 = vector.load %arg5[%get3A_16, %get3A_17] : memref<1x64xf32, #tpu.memory_space<vmem>>, vector<1x64xf32>
    %add3A_19 = vector.broadcast %get3A_18 : vector<1x64xf32> to vector<10240x64xf32>
    %add3A_20 = arith.addf %mul3A_15, %add3A_19 : vector<10240x64xf32>
    %max3A = arith.constant 0.000000e+00 : f32
    %max3A_21 = vector.broadcast %max3A : f32 to vector<10240x64xf32>
    %max3A_22 = arith.maximumf %add3A_20, %max3A_21 : vector<10240x64xf32>
    %get3A_23 = arith.constant 0 : index
    %get3A_24 = arith.constant 0 : index
    %get3A_25 = vector.load %arg4[%get3A_23, %get3A_24] : memref<64x64xf32, #tpu.memory_space<vmem>>, vector<64x64xf32>
    %dot_general3A = arith.constant dense<0.000000e+00> : vector<10240x64xf32>
    %dot_general3A_26 = tpu.matmul %max3A_22, %get3A_25, %dot_general3A {dimension_numbers = #tpu.dot_dimension_numbers<[1], [0], [0], [1], [0, 0, 1, 1], [], []>, transpose_lhs_hint = false} : vector<10240x64xf32>, vector<64x64xf32>, vector<10240x64xf32> -> vector<10240x64xf32>
    %mul3A_27 = vector.broadcast %rsqrt3A : vector<10240x1xf32> to vector<10240x64xf32>
    %mul3A_28 = arith.mulf %dot_general3A_26, %mul3A_27 : vector<10240x64xf32>
    %swap3A = arith.constant 0 : index
    %swap3A_29 = arith.constant 0 : index
    %swap3A_30 = vector.load %arg6[%swap3A, %swap3A_29] : memref<10240x64xf32, #tpu.memory_space<vmem>>, vector<10240x64xf32>
    tpu.vector_store %arg6[%swap3A, %swap3A_29], %mul3A_28 {strides = array<i32>} : memref<10240x64xf32, #tpu.memory_space<vmem>>, vector<10240x64xf32>,
    return
  }
}

module attributes {stable_mosaic.version = 14 : i64} {
  func.func @_tc_final(%arg0: memref<10240x64xf32, #tpu.memory_space<vmem>>, %arg1: memref<10240x64xf32, #tpu.memory_space<vmem>>, %arg2: memref<10240x8xf32, #tpu.memory_space<vmem>>, %arg3: memref<10240x8xf32, #tpu.memory_space<vmem>>, %arg4: memref<1x64xf32, #tpu.memory_space<vmem>>, %arg5: memref<10240x1xi32, #tpu.memory_space<vmem>>, %arg6: memref<64x10xf32, #tpu.memory_space<vmem>>, %arg7: memref<1x10xf32, #tpu.memory_space<vmem>>, %arg8: memref<64x10xf32, #tpu.memory_space<vmem>>) attributes {dimension_semantics = [], scalar_prefetch = 0 : i64, scratch_operands = 0 : i64, tpu.core_type = #tpu.core_type<tc>} {
    %get3A = arith.constant 0 : index
    %get3A_0 = arith.constant 0 : index
    %get3A_1 = vector.load %arg2[%get3A, %get3A_0] : memref<10240x8xf32, #tpu.memory_space<vmem>>, vector<10240x8xf32>
    %get3A_2 = arith.constant 0 : index
    %get3A_3 = arith.constant 0 : index
    %get3A_4 = vector.load %arg3[%get3A_2, %get3A_3] : memref<10240x8xf32, #tpu.memory_space<vmem>>, vector<10240x8xf32>
    %add3A = arith.addf %get3A_1, %get3A_4 : vector<10240x8xf32>
    %slice3A = vector.extract_strided_slice %add3A {offsets = [0, 0], sizes = [10240, 1], strides = [1, 1]} : vector<10240x8xf32> to vector<10240x1xf32>
    %add3A_5 = arith.constant 1.000000e+00 : f32
    %add3A_6 = vector.broadcast %add3A_5 : f32 to vector<10240x1xf32>
    %add3A_7 = arith.addf %slice3A, %add3A_6 : vector<10240x1xf32>
    %rsqrt3A = math.rsqrt %add3A_7 : vector<10240x1xf32>
    %get3A_8 = arith.constant 0 : index
    %get3A_9 = arith.constant 0 : index
    %get3A_10 = vector.load %arg0[%get3A_8, %get3A_9] : memref<10240x64xf32, #tpu.memory_space<vmem>>, vector<10240x64xf32>
    %get3A_11 = arith.constant 0 : index
    %get3A_12 = arith.constant 0 : index
    %get3A_13 = vector.load %arg1[%get3A_11, %get3A_12] : memref<10240x64xf32, #tpu.memory_space<vmem>>, vector<10240x64xf32>
    %add3A_14 = arith.addf %get3A_10, %get3A_13 : vector<10240x64xf32>
    %mul3A = vector.broadcast %rsqrt3A : vector<10240x1xf32> to vector<10240x64xf32>
    %mul3A_15 = arith.mulf %add3A_14, %mul3A : vector<10240x64xf32>
    %get3A_16 = arith.constant 0 : index
    %get3A_17 = arith.constant 0 : index
    %get3A_18 = vector.load %arg4[%get3A_16, %get3A_17] : memref<1x64xf32, #tpu.memory_space<vmem>>, vector<1x64xf32>
    %add3A_19 = vector.broadcast %get3A_18 : vector<1x64xf32> to vector<10240x64xf32>
    %add3A_20 = arith.addf %mul3A_15, %add3A_19 : vector<10240x64xf32>
    %iota3A = tpu.iota {dimensions = array<i32: 1>} : vector<1x64xi32>
    %get3A_21 = arith.constant 0 : index
    %get3A_22 = arith.constant 0 : index
    %get3A_23 = vector.load %arg5[%get3A_21, %get3A_22] : memref<10240x1xi32, #tpu.memory_space<vmem>>, vector<10240x1xi32>
    %eq3A = vector.broadcast %get3A_23 : vector<10240x1xi32> to vector<10240x64xi32>
    %eq3A_24 = vector.broadcast %iota3A : vector<1x64xi32> to vector<10240x64xi32>
    %eq3A_25 = arith.cmpi eq, %eq3A, %eq3A_24 : vector<10240x64xi32>
    %convert_element_type3A = arith.extui %eq3A_25 : vector<10240x64xi1> to vector<10240x64xi32>
    %convert_element_type3A_26 = arith.sitofp %convert_element_type3A : vector<10240x64xi32> to vector<10240x64xf32>
    %dot_general3A = arith.constant dense<0.000000e+00> : vector<64x64xf32>
    %dot_general3A_27 = tpu.matmul %convert_element_type3A_26, %add3A_20, %dot_general3A {dimension_numbers = #tpu.dot_dimension_numbers<[0], [0], [1], [1], [0, 1, 1, 1], [], []>, transpose_lhs_hint = false} : vector<10240x64xf32>, vector<10240x64xf32>, vector<64x64xf32> -> vector<64x64xf32>
    %broadcast_in_dim3A = arith.constant 1.000000e+00 : f32
    %broadcast_in_dim3A_28 = vector.broadcast %broadcast_in_dim3A : f32 to vector<10240x1xf32>
    %dot_general3A_29 = arith.constant dense<0.000000e+00> : vector<64x1xf32>
    %dot_general3A_30 = tpu.matmul %convert_element_type3A_26, %broadcast_in_dim3A_28, %dot_general3A_29 {dimension_numbers = #tpu.dot_dimension_numbers<[0], [0], [1], [1], [0, 1, 1, 1], [], []>, transpose_lhs_hint = false} : vector<10240x64xf32>, vector<10240x1xf32>, vector<64x1xf32> -> vector<64x1xf32>
    %max3A = arith.constant 1.000000e+00 : f32
    %max3A_31 = vector.broadcast %max3A : f32 to vector<64x1xf32>
    %max3A_32 = arith.maximumf %dot_general3A_30, %max3A_31 : vector<64x1xf32>
    %div3A = vector.broadcast %max3A_32 : vector<64x1xf32> to vector<64x64xf32>
    %div3A_33 = arith.divf %dot_general3A_27, %div3A : vector<64x64xf32>
    %get3A_34 = arith.constant 0 : index
    %get3A_35 = arith.constant 0 : index
    %get3A_36 = vector.load %arg6[%get3A_34, %get3A_35] : memref<64x10xf32, #tpu.memory_space<vmem>>, vector<64x10xf32>
    %dot_general3A_37 = arith.constant dense<0.000000e+00> : vector<64x10xf32>
    %dot_general3A_38 = tpu.matmul %div3A_33, %get3A_36, %dot_general3A_37 {dimension_numbers = #tpu.dot_dimension_numbers<[1], [0], [0], [1], [0, 0, 1, 1], [], []>, transpose_lhs_hint = false} : vector<64x64xf32>, vector<64x10xf32>, vector<64x10xf32> -> vector<64x10xf32>
    %get3A_39 = arith.constant 0 : index
    %get3A_40 = arith.constant 0 : index
    %get3A_41 = vector.load %arg7[%get3A_39, %get3A_40] : memref<1x10xf32, #tpu.memory_space<vmem>>, vector<1x10xf32>
    %add3A_42 = vector.broadcast %get3A_41 : vector<1x10xf32> to vector<64x10xf32>
    %add3A_43 = arith.addf %dot_general3A_38, %add3A_42 : vector<64x10xf32>
    %swap3A = arith.constant 0 : index
    %swap3A_44 = arith.constant 0 : index
    %swap3A_45 = vector.load %arg8[%swap3A, %swap3A_44] : memref<64x10xf32, #tpu.memory_space<vmem>>, vector<64x10xf32>
    tpu.vector_store %arg8[%swap3A, %swap3A_44], %add3A_43 {strides = array<i32>} : memref<64x10xf32, #tpu.memory_space<vmem>>, vector<64x10xf32>,
    return
  }
}

</mosaic_0001>

<sc_bundles>
// kernel: kernel.10.cloned.1.call-start
scs
__scs_entry_jumppad:
0x0: {  	(pc) =	sbr.rel $0x88, $3  }
0x1: {  	(tag) =	ssettag $0x0;
	lr =	simm.s32 $0x1  }
0x2: {  	[smem:$0x3F96] =	sst lr;
	_ =	strace $0xD0000000  }
0x3: {  	_ = 	snop  }
0x4: {  	_ = 	snop  }
0x5: {  	_ = 	snop  }
0x6: {  	_ = 	snop  }
0x7: {  	_ = 	snop  }
__scs_overlays_trampoline_lowered:
0x8: {  	[smem:$0x3FA5] =	sst s0  }
0x9: {  	[smem:$0x3FA6] =	sst s1  }
0xa: {  	[smem:$0x3FA7] =	sst s2  }
0xb: {  	[smem:$0x3FA8] =	sst s3  }
0xc: {  	[smem:$0x3FA9] =	sst s4  }
0xd: {  	[smem:$0x3FAA] =	sst s5  }
0xe: {  	[smem:$0x3FAB] =	sst s6  }
0xf: {  	[smem:$0x3FAC] =	sst s7  }
0x10: {  	[smem:$0x3FAD] =	sst s8  }
0x11: {  	[smem:$0x3FAE] =	sst s9;
	s0 =	simm.s32 @!p0 $0x0  }
0x12: {  	s1 =	sld [smem:$0x3F94];
	s0 =	simm.s32 @p0 $0x1  }
0x13: {  	[smem:$0x3FAF] =	sst s0;
	s0 =	simm.s32 @!p1 $0x0  }
0x14: {  	s2 =	sld [smem:$0x3F93];
	s0 =	simm.s32 @p1 $0x1  }
0x15: {  	[smem:$0x3FB0] =	sst s0;
	s0 =	simm.s32 @!p2 $0x0  }
0x16: {  	s3 =	sld [smem:$0x3FDB];
	s0 =	simm.s32 @p2 $0x1  }
0x17: {  	s4 =	simm.s32 $0x1BF5;
	[smem:$0x3FB2] =	sst s0  }
0x18: {  	s0 =	sld [smem:$0x3F95];
	_ =	swait.ge [sflag:s4], $0x0  }
0x19: {  	s7 =	sld [smem:$0x3F96]  }
0x1a: {  	s8 =	sadd.s32 $0xFFFFE003, lr  }
0x1b: {  	s9 =	sadd.s32 $0xFFFFFEF7, lr;
	s5 =	simm.s32 $0xFFFFFFFF;
	p2 =	slt.u32 s8, $0xFFFFF086  }
0x1c: {  	p1 =	slt.u32 s9, $0xF7A;
	s5 =	simm.s32 @!p2 $0x0  }
0x1d: {  	s5 =	simm.s32 @p1 $0x1;
	p0 =	seq.s32 s7, s2  }
0x1e: {  	s7 =	smul.u32 @!p0 $0xF7A, s2;
	p2 =	seq.s32 @!p0 s5, $0x0  }
0x1f: {  	s9 =	smul.u32 $0xF7A, s1;
	s8 =	simm.s32 @!p0 $0x1BF5;
	p2 =	por !p2, p0  }
0x20: {  	[sflag:s8] =	ssyncset.s32 @!p0 $0xFFFFF086;
	s6 =	sadd.s32 @!p0 s3, s7;
	s7 =	simm.s32 @!p0 $0x108  }
0x21: {  	s3 =	sadd.s32 s3, s9;
	s6 =	sadd.s32 @!p0 $0x88, s6;
	s7 =	simm.s32 @p2 $0x1082  }
0x22: {  	[simem:s7], [sflag:s8] =	dma.local @!p0 [hbm:s6], $0xF7A  }
0x23: {  	s9 =	sor.u32 $0xD0000000, s2;
	s6 =	simm.s32 $0x108;
	_ =	swait.ge @!p0 [sflag:s8], $0x0  }
0x24: {  	s3 =	sadd.s32 $0x88, s3;
	s6 =	simm.s32 @!p1 $0x1082;
	[sflag:s4] =	ssyncset.s32 $0xFFFFF086  }
0x25: {  	[simem:s6], [sflag:s4] =	dma.local [hbm:s3], $0xF7A  }
0x26: {  	[smem:$0x3F96] =	sst s1;
	(tag) =	ssettag s2;
	_ =	strace s9  }
0x27: {  	s1 =	sld [smem:$0x3FA6]  }
0x28: {  	s2 =	sld [smem:$0x3FA7]  }
0x29: {  	s4 =	sld [smem:$0x3FA9]  }
0x2a: {  	p0 =	seq.s32 s5, $0x0;
	s5 =	sld [smem:$0x3FAA]  }
0x2b: {  	s6 =	sld [smem:$0x3FAB]  }
0x2c: {  	s7 =	sld [smem:$0x3FAC]  }
0x2d: {  	s3 =	simm.s32 $0x108;
	s8 =	sld [smem:$0x3FAD]  }
0x2e: {  	s3 =	simm.s32 @!p0 $0x1082;
	s9 =	sld [smem:$0x3FAE]  }
0x2f: {  	lr =	sadd.s32 s0, s3;
	s0 =	sld [smem:$0x3FA5]  }
0x30: {  	s3 =	sld [smem:$0x3FA8]  }
0x31: {  	[smem:$0x3FB1] =	sst s10  }
0x32: {  	s10 =	sld [smem:$0x3FAF];
	_ =	sdelay $0x3  }
0x33: {  	p0 =	seq.s32 s10, $0x1;
	s10 =	sld [smem:$0x3FB1];
	_ =	sdelay $0x3  }
0x34: {  	[smem:$0x3FB1] =	sst s10  }
0x35: {  	s10 =	sld [smem:$0x3FB0];
	_ =	sdelay $0x3  }
0x36: {  	p1 =	seq.s32 s10, $0x1;
	s10 =	sld [smem:$0x3FB1];
	_ =	sdelay $0x3  }
0x37: {  	[smem:$0x3FB1] =	sst s10  }
0x38: {  	s10 =	sld [smem:$0x3FB2]  }
0x39: {  	_ = 	snop;
	(pc) =	sbr.ind lr, $3  }
0x3a: {  	_ = 	snop  }
0x3b: {  	_ = 	snop  }
0x3c: {  	p2 =	seq.s32 s10, $0x1;
	s10 =	sld [smem:$0x3FB1]  }
0x3d: {  	_ =	shalt  }
0x3e: {  	_ =	shalt  }
0x3f: {  	_ =	shalt  }
0x40: {  	_ =	shalt  }
0x41: {  	_ =	shalt  }
0x42: {  	_ =	shalt  }
0x43: {  	_ =	shalt  }
0x44: {  	_ =	shalt  }
0x45: {  	_ =	shalt  }
0x46: {  	_ =	shalt  }
0x47: {  	_ =	shalt  }
0x48: {  	_ =	shalt  }
0x49: {  	_ =	shalt  }
0x4a: {  	_ =	shalt  }
0x4b: {  	_ =	shalt  }
0x4c: {  	_ =	shalt  }
0x4d: {  	_ =	shalt  }
0x4e: {  	_ =	shalt  }
0x4f: {  	_ =	shalt  }
0x50: {  	_ =	shalt  }
0x51: {  	_ =	shalt  }
0x52: {  	_ =	shalt  }
0x53: {  	_ =	shalt  }
0x54: {  	_ =	shalt  }
0x55: {  	_ =	shalt  }
0x56: {  	_ =	shalt  }
0x57: {  	_ =	shalt  }
0x58: {  	_ =	shalt  }
0x59: {  	_ =	shalt  }
0x5a: {  	_ =	shalt  }
0x5b: {  	_ =	shalt  }
0x5c: {  	_ =	shalt  }
0x5d: {  	_ =	shalt  }
0x5e: {  	_ =	shalt  }
0x5f: {  	_ =	shalt  }
0x60: {  	_ =	shalt  }
0x61: {  	_ =	shalt  }
0x62: {  	_ =	shalt  }
0x63: {  	_ =	shalt  }
0x64: {  	_ =	shalt  }
0x65: {  	_ =	shalt  }
0x66: {  	_ =	shalt  }
0x67: {  	_ =	shalt  }
0x68: {  	_ =	shalt  }
0x69: {  	_ =	shalt  }
0x6a: {  	_ =	shalt  }
0x6b: {  	_ =	shalt  }
0x6c: {  	_ =	shalt  }
0x6d: {  	_ =	shalt  }
0x6e: {  	_ =	shalt  }
0x6f: {  	_ =	shalt  }
0x70: {  	_ =	shalt  }
0x71: {  	_ =	shalt  }
0x72: {  	_ =	shalt  }
0x73: {  	_ =	shalt  }
0x74: {  	_ =	shalt  }
0x75: {  	_ =	shalt  }
0x76: {  	_ =	shalt  }
0x77: {  	_ =	shalt  }
0x78: {  	_ =	shalt  }
0x79: {  	_ =	shalt  }
0x7a: {  	_ =	shalt  }
0x7b: {  	_ =	shalt  }
0x7c: {  	_ =	shalt  }
0x7d: {  	_ =	shalt  }
0x7e: {  	_ =	shalt  }
0x7f: {  	_ =	shalt  }
0x80: {  	_ =	shalt  }
0x81: {  	_ =	shalt  }
0x82: {  	_ =	shalt  }
0x83: {  	_ =	shalt  }
0x84: {  	_ =	shalt  }
0x85: {  	_ =	shalt  }
0x86: {  	_ =	shalt  }
0x87: {  	_ =	shalt  }
.Lfunc_end0:
.L_simem_size_0:
called_computation_lowered:
.L_overlay_start_0:
0x88: {  	s2 =	sld [smem:$0x3FD9]  }
0x89: {  	s3 =	sld [smem:$0x3FFE];
	_ =	sdelay $0x1  }
0x8a: {  	s1 =	srdreg.scid  }
0x8b: {  	s0 =	sand.u32 $0x1, s1  }
0x8c: {  	s17 =	sshll.u32 s0, $0xA;
	s2 =	sadd.s32 s3, s2  }
0x8d: {  	s2 =	sadd.s32 s2, s17  }
0x8e: {  	[smem:$0x3FBD] =	sst s2  }
0x8f: {  	_ = 	snop  }
0x90: {  	s2 =	sld [smem:$0x3FD0];
	(tm) =	ssettm $0x1  }
0x91: {  	s18 =	sld [smem:$0x3FFB];
	_ =	sdelay $0x3  }
0x92: {  	_ =	strace s18  }
0x93: {  	s3 =	sld [smem:$0x3FFC];
	_ =	sdelay $0x3  }
0x94: {  	_ =	strace s3  }
0x95: {  	s3 =	sld [smem:$0x3FFD];
	_ =	sdelay $0x3  }
0x96: {  	_ =	strace s3  }
0x97: {  	_ =	strace $0x8FFFFFFF  }
0x98: {  	s19 =	sld [smem:$0x3FDB];
	_ =	sdelay $0x1  }
0x99: {  	s4 =	simm.s32 $_scs_section_size  }
0x9a: {  	s5 =	simm.s32 $_size__tile_overlayer_lowered;
	s6 =	simm.s32 $_tile_overlayer_lowered  }
0x9b: {  	s22 =	simm.s32 $0x1BFF;
	s21 =	sshll.u32 s6, $0x1;
	s3 =	sadd.s32 s4, s19  }
0x9c: {  	s7 =	simm.s32 $0x0;
	s20 =	sshll.u32 s5, $0x1;
	s5 =	sadd.s32 s21, s3  }
0x9d: {  	[timem:s7], [sflag:s22] =	dma.local [hbm:s5], s20  }
0x9e: {  	_ =	swait.ge [sflag:s22], s20  }
0x9f: {  	s4 =	ssub.s32 $0x0, s20;
	[sflag:s22] =	ssyncset.done $0x0  }
0xa0: {  	[sflag:s22] =	ssyncadd.s32 s4;
	_ =	sdelay $0x1  }
0xa1: {  	s23 =	simm.s32 $0x1B8B  }
0xa2: {  	_ =	swait.ge [sflag:s23], $0x1  }
0xa3: {  	[sflag:s23] =	ssyncset.done $0x0  }
0xa4: {  	s25 =	simm.s32 $0x1B8E;
	s24 =	sld [smem:$0x3FFE];
	[sflag:s23] =	ssyncadd.s32 $0xFFFFFFFF  }
0xa5: {  	s26 =	simm.s32 $execute0_lowered;
	[smem:$0x3FD2] =	sst s25  }
0xa6: {  	s5 =	sshll.u32 s26, $0x1;
	_ =	strace $0x80000046;
	[dreg:$0x1] =	wrdreg $0xFFFFFFFF  }
0xa7: {  	s28 =	simm.s32 $_size_execute0_lowered;
	s3 =	sadd.s32 s3, s5;
	[dreg:$0x0] =	wrdreg $0x0  }
0xa8: {  	s5 =	sshll.u32 s28, $0x1;
	[dreg:$0x2] =	wrdreg s3  }
0xa9: {  	[dreg:$0x3] =	wrdreg s5  }
0xaa: {  	[dreg:$0x4] =	wrdreg $0xC0  }
0xab: {  	_ =	task [dreg:s7], $0x5FFFF  }
0xac: {  	[dreg:$0x1] =	wrdreg $0xFFFFFFFF  }
0xad: {  	[dreg:$0x0] =	wrdreg $0x60  }
0xae: {  	[dreg:$0x2] =	wrdreg s24  }
0xaf: {  	[dreg:$0x3] =	wrdreg s2  }
0xb0: {  	[dreg:$0x4] =	wrdreg $0x2C000  }
0xb1: {  	[dreg:$0x5] =	wrdreg $0x9  }
0xb2: {  	_ =	task.clear_ibuf [dreg:s7], $0x6FFFF;
	_ =	strace $0x90000046  }
0xb3: {  	s29 =	simm.s32 $0x9;
	_ =	strace $0x80000048  }
0xb4: {  	_ =	swait.ge [sflag:s29], $0x1  }
0xb5: {  	[sflag:s29] =	ssyncadd.s32 $0xFFFFFFFF  }
0xb6: {  	_ =	strace $0x90000048  }
0xb7: {  	_ =	sfence  }
0xb8: {  	s30 =	sld [smem:$0x0];
	_ =	sdelay $0x2  }
0xb9: {  	s31 =	sshll.u32 s1, $0xD;
	s1 =	sshrl.u32 s1, $0x2  }
0xba: {  	s3 =	sand.u32 $0x4000, s31;
	s1 =	sadd.s32 s1, s30  }
0xbb: {  	s0 =	sor.u32 s3, s0;
	s1 =	sshll.u32 s1, $0x11  }
0xbc: {  	s0 =	sor.u32 s1, s0  }
0xbd: {  	s0 =	sadd.s32 $0x8F2B, s0  }
0xbe: {  	[sflag:s0] =	ssyncadd.remote.s32 $0x1  }
0xbf: {  	_ =	sfence.sel $0xFFFF  }
0xc0: {  	[dreg:$0x0] =	wrdreg $0xFFFFFFFF;
	(pc) =	sbr.abs _section_cstart, $3  }
0xc1: {  	[dreg:$0x1] =	wrdreg $0xFFFFFFFF  }
0xc2: {  	_ =	task.clear_ibuf [dreg:s7], $0x2FFFF;
	_ =	strace $0x9FFFFFFF  }
0xc3: {  	(tm) =	ssettm $0x7FFFFFFF  }
tec
execute0_lowered:
.L_overlay_start_1:
0x0: {  	(tag) =	ssettag $0x1  }
0x1: {  	s7 =	rddreg [dreg:$0x0]  }
0x2: {  	s1 =	srdreg.scid;
	s2 =	rddreg [dreg:$0x1]  }
0x3: {  	s0 =	stileid.u32;
	s3 =	rddreg [dreg:$0x2]  }
0x4: {  	s4 =	simm.s32 $0x0;
	s14 =	simm.s32 $0x1;
	s15 =	simm.s32 $0x0  }
0x5: {  	s6 =	sand.u32 $0x1, s1;
	s30 =	sshll.u32 s0, $0x1;
	s8 =	smul.u32 $0x1400, s0  }
0x6: {  	[smem:$0x7FF] =	sst s4;
	s1 =	sor.u32 s6, s30;
	s9 =	smul.u32 $0x14000, s6  }
0x7: {  	s11 =	sshll.u32 s0, $0x6;
	s6 =	ssub.s32 $0x2, s6;
	s5 =	smul.u32 $0x500, s1  }
0x8: {  	s1 =	rddreg [dreg:$0x3];
	_ =	strace $0x80000047;
	s31 =	sshrl.u32 s6, $0x1  }
0x9: {  	s13 =	sadd.s32 s8, s3;
	s9 =	sadd.s32 s8, s9;
	s12 =	ssub.s32 s6, s31  }
0xa: {  	s6 =	sor.u32 $0x1C02, s11;
	s11 =	simm.s32 $0x2;
	s9 =	sshrl.u32 s9, $0x3  }
0xb: {  	s10 =	sadd.s32 s5, s7;
	s5 =	sadd.s32 $0xD400, s7;
	s9 =	sadd.s32 s9, s7  }
0xc: {  	s7 =	sadd.s32 $0x3400, s10;
	s10 =	sshrl.u32 s13, $0x3;
	s13 =	simm.s32 $0x80  }
0xd: {  	s8 =	sadd.s32 $0xD800, s9;
	s9 =	smax.u32 s12, $0x1;
	s12 =	simm.s32 $0x2800  }
.LBB2_1:
0xe: {  	[spmem:s10], [sflag:s6] =	dma.local [hbm:s5], $0x280  }
0xf: {  	_ =	swait.ge [sflag:s11], $0x280  }
0x10: {  	[sflag:s11] =	ssyncset.done $0x0  }
0x11: {  	[sflag:s11] =	ssyncadd.s32 $0xFFFFFD80  }
0x12: {  	[tilespmem:s12], [sflag:$0x2] =	stream.linear.gather [hbm4b:s2+s4], $0x400, $0x38;
	[tilespmem:$0x4000] =	vst v63  }
0x13: {  	_ =	swait.ge [sflag:s11], $0x400  }
0x14: {  	[sflag:s11] =	ssyncset.done $0x0  }
0x15: {  	[sflag:s11] =	ssyncadd.s32 $0xFFFFFC00  }
0x16: {  	[tilespmem:s4], [sflag:$0x2] =	stream.linear.gather [hbm4b:s7+s4], $0x2800, $0x38;
	[tilespmem:$0x4000] =	vst v63  }
0x17: {  	_ =	swait.ge [sflag:s11], $0x2800  }
0x18: {  	[sflag:s11] =	ssyncset.done $0x0  }
0x19: {  	[sflag:s11] =	ssyncadd.s32 $0xFFFFD800  }
0x1a: {  	s16 =	simm.s32 $0x0;
	[bflag:$0x0] =	sbarrier.arrive $0xFFFF  }
.LBB2_2:
0x1b: {  	p0 =	sne.s32 s16, $0x9E00  }
.Ltmp0:
0x1c: {  	_ = 	snop;
	(pc) =	sbr.rel @p0 .LBB2_2-.Ltmp0, $3  }
0x1d: {  	_ =	sdelay $0x1  }
0x1e: {  	s17 =	sshra.s32 s16, $0x2;
	s16 =	sadd.s32 $0x200, s16  }
0x1f: {  	[spmem:s3] =	stream.indirect.scatter.add.f32 [tilespmem:s12], [sflag:$0x1], $0x8, s17, s13, $0xb8;
	[tilespmem:$0x4000] =	vst v63  }
0x20: {  	_ =	swait.ge [sflag:s14], $0x400  }
0x21: {  	s16 =	simm.s32 $0x4F;
	[sflag:s14] =	ssyncset.done $0x0  }
.LBB2_4:
0x22: {  	p0 =	sne.s32 s16, $0x1;
	s16 =	sadd.s32 $0xFFFFFFFF, s16;
	[sflag:s14] =	ssyncadd.s32 $0xFFFFFC00  }
.Ltmp1:
0x23: {  	(pc) =	sbr.rel @p0 .LBB2_4-.Ltmp1, $3  }
0x24: {  	_ =	sdelay $0x1  }
0x25: {  	_ =	swait.ge [sflag:s14], $0x400  }
0x26: {  	[sflag:s14] =	ssyncset.done $0x0  }
0x27: {  	s15 =	sadd.s32 $0x1, s15  }
0x28: {  	[sflag:s14] =	ssyncadd.s32 $0xFFFFFC00;
	p0 =	sne.s32 s15, s9  }
.Ltmp2:
0x29: {  	[bflag:$0x0] =	sbarrier.arrive $0xFFFF;
	(pc) =	sbr.rel @p0 .LBB2_1-.Ltmp2, $4  }
0x2a: {  	[hbm:s8], [sflag:s6] =	dma.local [spmem:s10], $0x280  }
0x2b: {  	_ =	swait.ge [sflag:s11], $0x280  }
0x2c: {  	[sflag:s11] =	ssyncset.done $0x0  }
0x2d: {  	[sflag:s11] =	ssyncadd.s32 $0xFFFFFD80  }
0x2e: {  	_ =	sfence.sel $0x180000  }
0x2f: {  	[bflag:$0x0] =	sbarrier.arrive $0xFFFF  }
0x30: {  	p0 =	sne.s32 s0, $0x0;
	_ =	strace $0x90000047  }
0x31: {  	s0 =	sadd.s32 @!p0 $0x100000, s1;
	[bflag:$0x2] =	sbarrier.arrive $0xFFFF  }
0x32: {  	[sflag:s0] =	ssyncadd.tile.s32 @!p0 $0x1;
	_ =	shalt  }
.Lfunc_end2:
_tile_overlayer_lowered:
.L_overlay_start_2:
0x33: {  	(tag) =	ssettag $0x2  }
0x34: {  	s0 =	rddreg [dreg:$0x0];
	s2 =	stileid.u32  }
0x35: {  	s1 =	rddreg [dreg:$0x1];
	p0 =	sne.s32 s2, $0x0  }
0x36: {  	s3 =	rddreg [dreg:$0x2];
	[bflag:$0x3] =	sbarrier.arrive $0xFFFF;
	s2 =	simm.s32 @!p0 $0x1C02  }
0x37: {  	[timem:s3], [sflag:s2] =	dma.local @!p0 [hbm:s0], s1  }
0x38: {  	s0 =	simm.s32 @!p0 $0x2  }
0x39: {  	_ =	swait.ge @!p0 [sflag:s0], s1  }
0x3a: {  	s1 =	ssub.s32 @!p0 $0x0, s1;
	[sflag:s0] =	ssyncset.done @!p0 $0x0  }
0x3b: {  	[sflag:s0] =	ssyncadd.s32 @!p0 s1  }
0x3c: {  	[bflag:$0x3] =	sbarrier.arrive $0xFFFF  }
0x3d: {  	_ =	shalt  }

// kernel: kernel.13.cloned.1.call-start
scs
__scs_entry_jumppad:
0x0: {  	(pc) =	sbr.rel $0x88, $3  }
0x1: {  	(tag) =	ssettag $0x0;
	lr =	simm.s32 $0x1  }
0x2: {  	[smem:$0x3F96] =	sst lr;
	_ =	strace $0xD0000000  }
0x3: {  	_ = 	snop  }
0x4: {  	_ = 	snop  }
0x5: {  	_ = 	snop  }
0x6: {  	_ = 	snop  }
0x7: {  	_ = 	snop  }
__scs_overlays_trampoline_lowered:
0x8: {  	[smem:$0x3FA5] =	sst s0  }
0x9: {  	[smem:$0x3FA6] =	sst s1  }
0xa: {  	[smem:$0x3FA7] =	sst s2  }
0xb: {  	[smem:$0x3FA8] =	sst s3  }
0xc: {  	[smem:$0x3FA9] =	sst s4  }
0xd: {  	[smem:$0x3FAA] =	sst s5  }
0xe: {  	[smem:$0x3FAB] =	sst s6  }
0xf: {  	[smem:$0x3FAC] =	sst s7  }
0x10: {  	[smem:$0x3FAD] =	sst s8  }
0x11: {  	[smem:$0x3FAE] =	sst s9;
	s0 =	simm.s32 @!p0 $0x0  }
0x12: {  	s1 =	sld [smem:$0x3F94];
	s0 =	simm.s32 @p0 $0x1  }
0x13: {  	[smem:$0x3FAF] =	sst s0;
	s0 =	simm.s32 @!p1 $0x0  }
0x14: {  	s2 =	sld [smem:$0x3F93];
	s0 =	simm.s32 @p1 $0x1  }
0x15: {  	[smem:$0x3FB0] =	sst s0;
	s0 =	simm.s32 @!p2 $0x0  }
0x16: {  	s3 =	sld [smem:$0x3FDB];
	s0 =	simm.s32 @p2 $0x1  }
0x17: {  	s4 =	simm.s32 $0x1BF5;
	[smem:$0x3FB2] =	sst s0  }
0x18: {  	s0 =	sld [smem:$0x3F95];
	_ =	swait.ge [sflag:s4], $0x0  }
0x19: {  	s7 =	sld [smem:$0x3F96]  }
0x1a: {  	s8 =	sadd.s32 $0xFFFFE003, lr  }
0x1b: {  	s9 =	sadd.s32 $0xFFFFFEF7, lr;
	s5 =	simm.s32 $0xFFFFFFFF;
	p2 =	slt.u32 s8, $0xFFFFF086  }
0x1c: {  	p1 =	slt.u32 s9, $0xF7A;
	s5 =	simm.s32 @!p2 $0x0  }
0x1d: {  	s5 =	simm.s32 @p1 $0x1;
	p0 =	seq.s32 s7, s2  }
0x1e: {  	s7 =	smul.u32 @!p0 $0xF7A, s2;
	p2 =	seq.s32 @!p0 s5, $0x0  }
0x1f: {  	s9 =	smul.u32 $0xF7A, s1;
	s8 =	simm.s32 @!p0 $0x1BF5;
	p2 =	por !p2, p0  }
0x20: {  	[sflag:s8] =	ssyncset.s32 @!p0 $0xFFFFF086;
	s6 =	sadd.s32 @!p0 s3, s7;
	s7 =	simm.s32 @!p0 $0x108  }
0x21: {  	s3 =	sadd.s32 s3, s9;
	s6 =	sadd.s32 @!p0 $0x88, s6;
	s7 =	simm.s32 @p2 $0x1082  }
0x22: {  	[simem:s7], [sflag:s8] =	dma.local @!p0 [hbm:s6], $0xF7A  }
0x23: {  	s9 =	sor.u32 $0xD0000000, s2;
	s6 =	simm.s32 $0x108;
	_ =	swait.ge @!p0 [sflag:s8], $0x0  }
0x24: {  	s3 =	sadd.s32 $0x88, s3;
	s6 =	simm.s32 @!p1 $0x1082;
	[sflag:s4] =	ssyncset.s32 $0xFFFFF086  }
0x25: {  	[simem:s6], [sflag:s4] =	dma.local [hbm:s3], $0xF7A  }
0x26: {  	[smem:$0x3F96] =	sst s1;
	(tag) =	ssettag s2;
	_ =	strace s9  }
0x27: {  	s1 =	sld [smem:$0x3FA6]  }
0x28: {  	s2 =	sld [smem:$0x3FA7]  }
0x29: {  	s4 =	sld [smem:$0x3FA9]  }
0x2a: {  	p0 =	seq.s32 s5, $0x0;
	s5 =	sld [smem:$0x3FAA]  }
0x2b: {  	s6 =	sld [smem:$0x3FAB]  }
0x2c: {  	s7 =	sld [smem:$0x3FAC]  }
0x2d: {  	s3 =	simm.s32 $0x108;
	s8 =	sld [smem:$0x3FAD]  }
0x2e: {  	s3 =	simm.s32 @!p0 $0x1082;
	s9 =	sld [smem:$0x3FAE]  }
0x2f: {  	lr =	sadd.s32 s0, s3;
	s0 =	sld [smem:$0x3FA5]  }
0x30: {  	s3 =	sld [smem:$0x3FA8]  }
0x31: {  	[smem:$0x3FB1] =	sst s10  }
0x32: {  	s10 =	sld [smem:$0x3FAF];
	_ =	sdelay $0x3  }
0x33: {  	p0 =	seq.s32 s10, $0x1;
	s10 =	sld [smem:$0x3FB1];
	_ =	sdelay $0x3  }
0x34: {  	[smem:$0x3FB1] =	sst s10  }
0x35: {  	s10 =	sld [smem:$0x3FB0];
	_ =	sdelay $0x3  }
0x36: {  	p1 =	seq.s32 s10, $0x1;
	s10 =	sld [smem:$0x3FB1];
	_ =	sdelay $0x3  }
0x37: {  	[smem:$0x3FB1] =	sst s10  }
0x38: {  	s10 =	sld [smem:$0x3FB2]  }
0x39: {  	_ = 	snop;
	(pc) =	sbr.ind lr, $3  }
0x3a: {  	_ = 	snop  }
0x3b: {  	_ = 	snop  }
0x3c: {  	p2 =	seq.s32 s10, $0x1;
	s10 =	sld [smem:$0x3FB1]  }
0x3d: {  	_ =	shalt  }
0x3e: {  	_ =	shalt  }
0x3f: {  	_ =	shalt  }
0x40: {  	_ =	shalt  }
0x41: {  	_ =	shalt  }
0x42: {  	_ =	shalt  }
0x43: {  	_ =	shalt  }
0x44: {  	_ =	shalt  }
0x45: {  	_ =	shalt  }
0x46: {  	_ =	shalt  }
0x47: {  	_ =	shalt  }
0x48: {  	_ =	shalt  }
0x49: {  	_ =	shalt  }
0x4a: {  	_ =	shalt  }
0x4b: {  	_ =	shalt  }
0x4c: {  	_ =	shalt  }
0x4d: {  	_ =	shalt  }
0x4e: {  	_ =	shalt  }
0x4f: {  	_ =	shalt  }
0x50: {  	_ =	shalt  }
0x51: {  	_ =	shalt  }
0x52: {  	_ =	shalt  }
0x53: {  	_ =	shalt  }
0x54: {  	_ =	shalt  }
0x55: {  	_ =	shalt  }
0x56: {  	_ =	shalt  }
0x57: {  	_ =	shalt  }
0x58: {  	_ =	shalt  }
0x59: {  	_ =	shalt  }
0x5a: {  	_ =	shalt  }
0x5b: {  	_ =	shalt  }
0x5c: {  	_ =	shalt  }
0x5d: {  	_ =	shalt  }
0x5e: {  	_ =	shalt  }
0x5f: {  	_ =	shalt  }
0x60: {  	_ =	shalt  }
0x61: {  	_ =	shalt  }
0x62: {  	_ =	shalt  }
0x63: {  	_ =	shalt  }
0x64: {  	_ =	shalt  }
0x65: {  	_ =	shalt  }
0x66: {  	_ =	shalt  }
0x67: {  	_ =	shalt  }
0x68: {  	_ =	shalt  }
0x69: {  	_ =	shalt  }
0x6a: {  	_ =	shalt  }
0x6b: {  	_ =	shalt  }
0x6c: {  	_ =	shalt  }
0x6d: {  	_ =	shalt  }
0x6e: {  	_ =	shalt  }
0x6f: {  	_ =	shalt  }
0x70: {  	_ =	shalt  }
0x71: {  	_ =	shalt  }
0x72: {  	_ =	shalt  }
0x73: {  	_ =	shalt  }
0x74: {  	_ =	shalt  }
0x75: {  	_ =	shalt  }
0x76: {  	_ =	shalt  }
0x77: {  	_ =	shalt  }
0x78: {  	_ =	shalt  }
0x79: {  	_ =	shalt  }
0x7a: {  	_ =	shalt  }
0x7b: {  	_ =	shalt  }
0x7c: {  	_ =	shalt  }
0x7d: {  	_ =	shalt  }
0x7e: {  	_ =	shalt  }
0x7f: {  	_ =	shalt  }
0x80: {  	_ =	shalt  }
0x81: {  	_ =	shalt  }
0x82: {  	_ =	shalt  }
0x83: {  	_ =	shalt  }
0x84: {  	_ =	shalt  }
0x85: {  	_ =	shalt  }
0x86: {  	_ =	shalt  }
0x87: {  	_ =	shalt  }
.Lfunc_end0:
.L_simem_size_0:
called_computation.1_lowered:
.L_overlay_start_0:
0x88: {  	s2 =	sld [smem:$0x3FD9]  }
0x89: {  	s3 =	sld [smem:$0x3FFE];
	_ =	sdelay $0x1  }
0x8a: {  	s1 =	srdreg.scid  }
0x8b: {  	s0 =	sand.u32 $0x1, s1  }
0x8c: {  	s16 =	sshll.u32 s0, $0xA;
	s2 =	sadd.s32 s3, s2  }
0x8d: {  	s2 =	sadd.s32 s2, s16  }
0x8e: {  	[smem:$0x3FBD] =	sst s2  }
0x8f: {  	_ = 	snop  }
0x90: {  	(tm) =	ssettm $0x1  }
0x91: {  	s17 =	sld [smem:$0x3FFB];
	_ =	sdelay $0x3  }
0x92: {  	_ =	strace s17  }
0x93: {  	s2 =	sld [smem:$0x3FFC];
	_ =	sdelay $0x3  }
0x94: {  	_ =	strace s2  }
0x95: {  	s2 =	sld [smem:$0x3FFD];
	_ =	sdelay $0x3  }
0x96: {  	_ =	strace s2  }
0x97: {  	_ =	strace $0x8FFFFFFF  }
0x98: {  	s18 =	sld [smem:$0x3FDB];
	_ =	sdelay $0x1  }
0x99: {  	s19 =	simm.s32 $_scs_section_size  }
0x9a: {  	s4 =	simm.s32 $_size__tile_overlayer_lowered;
	s5 =	simm.s32 $_tile_overlayer_lowered  }
0x9b: {  	s22 =	simm.s32 $0x1BFF;
	s21 =	sshll.u32 s5, $0x1;
	s2 =	sadd.s32 s19, s18  }
0x9c: {  	s6 =	simm.s32 $0x0;
	s20 =	sshll.u32 s4, $0x1;
	s4 =	sadd.s32 s21, s2  }
0x9d: {  	[timem:s6], [sflag:s22] =	dma.local [hbm:s4], s20  }
0x9e: {  	_ =	swait.ge [sflag:s22], s20  }
0x9f: {  	s3 =	ssub.s32 $0x0, s20;
	[sflag:s22] =	ssyncset.done $0x0  }
0xa0: {  	[sflag:s22] =	ssyncadd.s32 s3;
	_ =	sdelay $0x1  }
0xa1: {  	s23 =	simm.s32 $0x1B8B  }
0xa2: {  	_ =	swait.ge [sflag:s23], $0x1  }
0xa3: {  	[sflag:s23] =	ssyncset.done $0x0  }
0xa4: {  	s25 =	simm.s32 $0x1B8E;
	s24 =	sld [smem:$0x3FFE];
	[sflag:s23] =	ssyncadd.s32 $0xFFFFFFFF  }
0xa5: {  	s26 =	simm.s32 $execute0_lowered;
	[smem:$0x3FD2] =	sst s25  }
0xa6: {  	s4 =	sshll.u32 s26, $0x1;
	_ =	strace $0x80000049;
	[dreg:$0x1] =	wrdreg $0xFFFFFFFF  }
0xa7: {  	s28 =	simm.s32 $_size_execute0_lowered;
	s2 =	sadd.s32 s2, s4;
	[dreg:$0x0] =	wrdreg $0x0  }
0xa8: {  	s4 =	sshll.u32 s28, $0x1;
	[dreg:$0x2] =	wrdreg s2  }
0xa9: {  	[dreg:$0x3] =	wrdreg s4  }
0xaa: {  	[dreg:$0x4] =	wrdreg $0xC0  }
0xab: {  	_ =	task [dreg:s6], $0x5FFFF  }
0xac: {  	[dreg:$0x1] =	wrdreg $0xFFFFFFFF  }
0xad: {  	[dreg:$0x0] =	wrdreg $0x60  }
0xae: {  	[dreg:$0x2] =	wrdreg s24  }
0xaf: {  	[dreg:$0x3] =	wrdreg $0x130000  }
0xb0: {  	[dreg:$0x4] =	wrdreg $0x90000  }
0xb1: {  	[dreg:$0x5] =	wrdreg $0x9  }
0xb2: {  	_ =	task.clear_ibuf [dreg:s6], $0x6FFFF;
	_ =	strace $0x90000049  }
0xb3: {  	s29 =	simm.s32 $0x9;
	_ =	strace $0x8000004B  }
0xb4: {  	_ =	swait.ge [sflag:s29], $0x1  }
0xb5: {  	[sflag:s29] =	ssyncadd.s32 $0xFFFFFFFF  }
0xb6: {  	_ =	strace $0x9000004B  }
0xb7: {  	_ =	sfence  }
0xb8: {  	s30 =	sld [smem:$0x0];
	_ =	sdelay $0x2  }
0xb9: {  	s31 =	sshll.u32 s1, $0xD;
	s1 =	sshrl.u32 s1, $0x2  }
0xba: {  	s3 =	sand.u32 $0x4000, s31;
	s1 =	sadd.s32 s1, s30  }
0xbb: {  	s0 =	sor.u32 s3, s0;
	s1 =	sshll.u32 s1, $0x11  }
0xbc: {  	s0 =	sor.u32 s1, s0  }
0xbd: {  	s0 =	sadd.s32 $0x8F2B, s0  }
0xbe: {  	[sflag:s0] =	ssyncadd.remote.s32 $0x1  }
0xbf: {  	_ =	sfence.sel $0xFFFF  }
0xc0: {  	[dreg:$0x0] =	wrdreg $0xFFFFFFFF;
	(pc) =	sbr.abs _section_cstart, $3  }
0xc1: {  	[dreg:$0x1] =	wrdreg $0xFFFFFFFF  }
0xc2: {  	_ =	task.clear_ibuf [dreg:s6], $0x2FFFF;
	_ =	strace $0x9FFFFFFF  }
0xc3: {  	(tm) =	ssettm $0x7FFFFFFF  }
tec
execute0_lowered:
.L_overlay_start_1:
0x0: {  	(tag) =	ssettag $0x1  }
0x1: {  	s6 =	rddreg [dreg:$0x0]  }
0x2: {  	s2 =	rddreg [dreg:$0x1]  }
0x3: {  	s3 =	rddreg [dreg:$0x2]  }
0x4: {  	s0 =	rddreg [dreg:$0x3]  }
0x5: {  	s1 =	stileid.u32;
	s4 =	srdreg.scid  }
0x6: {  	s16 =	simm.s32 $0x80;
	s17 =	simm.s32 $0x5000;
	s18 =	simm.s32 $0x3  }
0x7: {  	s19 =	simm.s32 $0x7000;
	s20 =	simm.s32 $0x2880;
	s21 =	simm.s32 $0x1  }
0x8: {  	s22 =	simm.s32 $0x2;
	s23 =	simm.s32 $0x0;
	s9 =	smul.u32 $0xA000, s1  }
0x9: {  	s11 =	sand.u32 $0x1, s4;
	s5 =	sshll.u32 s1, $0x1;
	s4 =	simm.s32 $0x0  }
0xa: {  	s31 =	sshll.u32 s1, $0x6;
	s5 =	sor.u32 s11, s5;
	s7 =	smul.u32 $0xA0000, s11  }
0xb: {  	[smem:$0x7FF] =	sst s4;
	s12 =	ssub.s32 $0x2, s11;
	p0 =	seq.s32 s11, $0x0  }
0xc: {  	s11 =	simm.s32 $0x4;
	s8 =	sshrl.u32 s9, $0x3;
	s5 =	smul.u32 $0x500, s5  }
0xd: {  	_ =	strace $0x8000004A;
	s30 =	sshrl.u32 s12, $0x1;
	s14 =	sadd.s32 s9, s2  }
0xe: {  	s15 =	sadd.s32 s9, s3;
	s8 =	sadd.s32 s8, s6;
	s7 =	sadd.s32 s9, s7  }
0xf: {  	s12 =	ssub.s32 s12, s30;
	s14 =	sshrl.u32 s14, $0x3;
	s15 =	sshrl.u32 s15, $0x3  }
0x10: {  	s10 =	sadd.s32 s5, s6;
	s7 =	sshrl.u32 s7, $0x3;
	s5 =	sadd.s32 $0xD400, s6  }
0x11: {  	s8 =	sadd.s32 $0x44800, s8;
	s13 =	sadd.s32 s7, s6;
	s6 =	sadd.s32 $0x12800, s10  }
0x12: {  	s7 =	sadd.s32 $0x3400, s10;
	s10 =	smax.u32 s12, $0x1;
	s12 =	simm.s32 $0x2800  }
0x13: {  	s5 =	smov.u32 @p0 s8;
	s9 =	sadd.s32 $0x58800, s13;
	s13 =	sor.u32 $0x1C04, s31  }
.LBB2_1:
0x14: {  	[tilespmem:s4], [sflag:$0x4] =	stream.linear.gather [hbm4b:s6+s4], $0x2800, $0x38;
	[tilespmem:$0x1D000] =	vst v63  }
0x15: {  	_ =	swait.ge [sflag:s11], $0x2800  }
0x16: {  	[sflag:s11] =	ssyncset.done $0x0  }
0x17: {  	[sflag:s11] =	ssyncadd.s32 $0xFFFFD800  }
0x18: {  	[tilespmem:s12], [sflag:$0x4] =	stream.linear.gather [hbm4b:s7+s4], $0x2800, $0x38;
	[tilespmem:$0x1D000] =	vst v63  }
0x19: {  	_ =	swait.ge [sflag:s11], $0x2800  }
0x1a: {  	[sflag:s11] =	ssyncset.done $0x0  }
0x1b: {  	[sflag:s11] =	ssyncadd.s32 $0xFFFFD800  }
0x1c: {  	[spmem:s14], [sflag:s13] =	dma.local [hbm:s8], $0x1400  }
0x1d: {  	_ =	swait.ge [sflag:s11], $0x1400  }
0x1e: {  	[sflag:s11] =	ssyncset.done $0x0  }
0x1f: {  	[sflag:s11] =	ssyncadd.s32 $0xFFFFEC00  }
0x20: {  	[spmem:s15], [sflag:s13] =	dma.local [hbm:s5], $0x1400  }
0x21: {  	_ =	swait.ge [sflag:s11], $0x1400  }
0x22: {  	[sflag:s11] =	ssyncset.done $0x0  }
0x23: {  	[sflag:s11] =	ssyncadd.s32 $0xFFFFEC00  }
0x24: {  	[bflag:$0x0] =	sbarrier.arrive $0xFFFF  }
0x25: {  	[tilespmem:s17], [sflag:$0x3] =	stream.indirect.gather [spmem:s2], $0x40, s4, s16, $0xb8;
	[tilespmem:$0x1D000] =	vst v63  }
0x26: {  	_ =	swait.ge [sflag:s18], $0x2000  }
0x27: {  	[sflag:s18] =	ssyncset.done $0x0  }
0x28: {  	[sflag:s18] =	ssyncadd.s32 $0xFFFFE000  }
0x29: {  	[spmem:s3] =	stream.indirect.scatter.add.f32 [tilespmem:s17], [sflag:$0x1], $0x40, s12, s16, $0xb8;
	[tilespmem:$0x1D000] =	vst v63  }
0x2a: {  	_ = 	snop  }
0x2b: {  	[tilespmem:s19], [sflag:$0x3] =	stream.indirect.gather [spmem:s2], $0x40, s16, s16, $0xb8;
	[tilespmem:$0x1D000] =	vst v63  }
0x2c: {  	_ =	swait.ge [sflag:s18], $0x2000  }
0x2d: {  	[sflag:s18] =	ssyncset.done $0x0  }
0x2e: {  	[sflag:s18] =	ssyncadd.s32 $0xFFFFE000  }
0x2f: {  	[spmem:s3] =	stream.indirect.scatter.add.f32 [tilespmem:s19], [sflag:$0x2], $0x40, s20, s16, $0xb8;
	[tilespmem:$0x1D000] =	vst v63  }
0x30: {  	_ =	swait.ge [sflag:s21], $0x2000  }
0x31: {  	[sflag:s21] =	ssyncset.done $0x0  }
0x32: {  	s24 =	simm.s32 $0x100;
	[sflag:s21] =	ssyncadd.s32 $0xFFFFE000  }
0x33: {  	[tilespmem:s17], [sflag:$0x3] =	stream.indirect.gather [spmem:s2], $0x40, s24, s16, $0xb8;
	[tilespmem:$0x1D000] =	vst v63  }
0x34: {  	_ =	swait.ge [sflag:s18], $0x2000  }
0x35: {  	[sflag:s18] =	ssyncset.done $0x0  }
0x36: {  	s30 =	simm.s32 $0x2900;
	[sflag:s18] =	ssyncadd.s32 $0xFFFFE000  }
0x37: {  	[spmem:s3] =	stream.indirect.scatter.add.f32 [tilespmem:s17], [sflag:$0x1], $0x40, s30, s16, $0xb8;
	[tilespmem:$0x1D000] =	vst v63  }
0x38: {  	_ =	swait.ge [sflag:s22], $0x2000  }
0x39: {  	[sflag:s22] =	ssyncset.done $0x0  }
0x3a: {  	s31 =	simm.s32 $0x180;
	[sflag:s22] =	ssyncadd.s32 $0xFFFFE000  }
0x3b: {  	[tilespmem:s19], [sflag:$0x3] =	stream.indirect.gather [spmem:s2], $0x40, s31, s16, $0xb8;
	[tilespmem:$0x1D000] =	vst v63  }
0x3c: {  	_ =	swait.ge [sflag:s18], $0x2000  }
0x3d: {  	[sflag:s18] =	ssyncset.done $0x0  }
0x3e: {  	s25 =	simm.s32 $0x2980;
	s24 =	simm.s32 $0xFFFF6800;
	[sflag:s18] =	ssyncadd.s32 $0xFFFFE000  }
.LBB2_2:
0x3f: {  	[spmem:s3] =	stream.indirect.scatter.add.f32 [tilespmem:s19], [sflag:$0x2], $0x40, s25, s16, $0xb8;
	[tilespmem:$0x1D000] =	vst v63  }
0x40: {  	s25 =	smov.u32 s24  }
0x41: {  	p0 =	sne.s32 s24, $0xFFFFFC00;
	s24 =	sadd.s32 $0x400, s24;
	_ =	swait.ge [sflag:s21], $0x2000  }
0x42: {  	s25 =	sshra.s32 s25, $0x2;
	[sflag:s21] =	ssyncset.done $0x0  }
0x43: {  	s26 =	sadd.s32 $0x2800, s25;
	[sflag:s21] =	ssyncadd.s32 $0xFFFFE000  }
0x44: {  	[tilespmem:s17], [sflag:$0x3] =	stream.indirect.gather [spmem:s2], $0x40, s26, s16, $0xb8;
	[tilespmem:$0x1D000] =	vst v63  }
0x45: {  	_ =	swait.ge [sflag:s18], $0x2000  }
0x46: {  	[sflag:s18] =	ssyncset.done $0x0  }
0x47: {  	s26 =	sadd.s32 $0x5000, s25;
	[sflag:s18] =	ssyncadd.s32 $0xFFFFE000  }
0x48: {  	[spmem:s3] =	stream.indirect.scatter.add.f32 [tilespmem:s17], [sflag:$0x1], $0x40, s26, s16, $0xb8;
	[tilespmem:$0x1D000] =	vst v63  }
0x49: {  	_ =	swait.ge [sflag:s22], $0x2000  }
0x4a: {  	[sflag:s22] =	ssyncset.done $0x0  }
.Ltmp0:
0x4b: {  	s26 =	sadd.s32 $0x2880, s25;
	[sflag:s22] =	ssyncadd.s32 $0xFFFFE000;
	(pc) =	sbr.rel @p0 .LBB2_2-.Ltmp0, $4  }
0x4c: {  	[tilespmem:s19], [sflag:$0x3] =	stream.indirect.gather [spmem:s2], $0x40, s26, s16, $0xb8;
	[tilespmem:$0x1D000] =	vst v63  }
0x4d: {  	_ =	swait.ge [sflag:s18], $0x2000  }
0x4e: {  	[sflag:s18] =	ssyncset.done $0x0  }
0x4f: {  	s25 =	sadd.s32 $0x5080, s25;
	[sflag:s18] =	ssyncadd.s32 $0xFFFFE000  }
0x50: {  	[spmem:s3] =	stream.indirect.scatter.add.f32 [tilespmem:s19], [sflag:$0x2], $0x40, s25, s16, $0xb8;
	[tilespmem:$0x1D000] =	vst v63  }
0x51: {  	_ =	swait.ge [sflag:s21], $0x2000  }
0x52: {  	[sflag:s21] =	ssyncset.done $0x0  }
0x53: {  	[sflag:s21] =	ssyncadd.s32 $0xFFFFE000  }
0x54: {  	_ =	swait.ge [sflag:s22], $0x2000  }
0x55: {  	s23 =	sadd.s32 $0x1, s23;
	[sflag:s22] =	ssyncset.done $0x0  }
0x56: {  	p0 =	sne.s32 s23, s10;
	[sflag:s22] =	ssyncadd.s32 $0xFFFFE000  }
.Ltmp1:
0x57: {  	[bflag:$0x0] =	sbarrier.arrive $0xFFFF;
	(pc) =	sbr.rel @p0 .LBB2_1-.Ltmp1, $4  }
0x58: {  	[hbm:s9], [sflag:s13] =	dma.local [spmem:s15], $0x1400  }
0x59: {  	_ =	swait.ge [sflag:s11], $0x1400  }
0x5a: {  	[sflag:s11] =	ssyncset.done $0x0  }
0x5b: {  	[sflag:s11] =	ssyncadd.s32 $0xFFFFEC00  }
0x5c: {  	_ =	sfence.sel $0x180000  }
0x5d: {  	[bflag:$0x0] =	sbarrier.arrive $0xFFFF  }
0x5e: {  	p0 =	sne.s32 s1, $0x0;
	_ =	strace $0x9000004A  }
0x5f: {  	s0 =	sadd.s32 @!p0 $0x100000, s0;
	[bflag:$0x2] =	sbarrier.arrive $0xFFFF  }
0x60: {  	[sflag:s0] =	ssyncadd.tile.s32 @!p0 $0x1;
	_ =	shalt  }
.Lfunc_end2:
_tile_overlayer_lowered:
.L_overlay_start_2:
0x61: {  	(tag) =	ssettag $0x2  }
0x62: {  	s0 =	rddreg [dreg:$0x0];
	s2 =	stileid.u32  }
0x63: {  	s1 =	rddreg [dreg:$0x1];
	p0 =	sne.s32 s2, $0x0  }
0x64: {  	s3 =	rddreg [dreg:$0x2];
	[bflag:$0x3] =	sbarrier.arrive $0xFFFF;
	s2 =	simm.s32 @!p0 $0x1C04  }
0x65: {  	[timem:s3], [sflag:s2] =	dma.local @!p0 [hbm:s0], s1  }
0x66: {  	s0 =	simm.s32 @!p0 $0x4  }
0x67: {  	_ =	swait.ge @!p0 [sflag:s0], s1  }
0x68: {  	s1 =	ssub.s32 @!p0 $0x0, s1;
	[sflag:s0] =	ssyncset.done @!p0 $0x0  }
0x69: {  	[sflag:s0] =	ssyncadd.s32 @!p0 s1  }
0x6a: {  	[bflag:$0x3] =	sbarrier.arrive $0xFFFF  }
0x6b: {  	_ =	shalt  }

// kernel: kernel.16.cloned.1.call-start
scs
__scs_entry_jumppad:
0x0: {  	(pc) =	sbr.rel $0x88, $3  }
0x1: {  	(tag) =	ssettag $0x0;
	lr =	simm.s32 $0x1  }
0x2: {  	[smem:$0x3F96] =	sst lr;
	_ =	strace $0xD0000000  }
0x3: {  	_ = 	snop  }
0x4: {  	_ = 	snop  }
0x5: {  	_ = 	snop  }
0x6: {  	_ = 	snop  }
0x7: {  	_ = 	snop  }
__scs_overlays_trampoline_lowered:
0x8: {  	[smem:$0x3FA5] =	sst s0  }
0x9: {  	[smem:$0x3FA6] =	sst s1  }
0xa: {  	[smem:$0x3FA7] =	sst s2  }
0xb: {  	[smem:$0x3FA8] =	sst s3  }
0xc: {  	[smem:$0x3FA9] =	sst s4  }
0xd: {  	[smem:$0x3FAA] =	sst s5  }
0xe: {  	[smem:$0x3FAB] =	sst s6  }
0xf: {  	[smem:$0x3FAC] =	sst s7  }
0x10: {  	[smem:$0x3FAD] =	sst s8  }
0x11: {  	[smem:$0x3FAE] =	sst s9;
	s0 =	simm.s32 @!p0 $0x0  }
0x12: {  	s1 =	sld [smem:$0x3F94];
	s0 =	simm.s32 @p0 $0x1  }
0x13: {  	[smem:$0x3FAF] =	sst s0;
	s0 =	simm.s32 @!p1 $0x0  }
0x14: {  	s2 =	sld [smem:$0x3F93];
	s0 =	simm.s32 @p1 $0x1  }
0x15: {  	[smem:$0x3FB0] =	sst s0;
	s0 =	simm.s32 @!p2 $0x0  }
0x16: {  	s3 =	sld [smem:$0x3FDB];
	s0 =	simm.s32 @p2 $0x1  }
0x17: {  	s4 =	simm.s32 $0x1BF5;
	[smem:$0x3FB2] =	sst s0  }
0x18: {  	s0 =	sld [smem:$0x3F95];
	_ =	swait.ge [sflag:s4], $0x0  }
0x19: {  	s7 =	sld [smem:$0x3F96]  }
0x1a: {  	s8 =	sadd.s32 $0xFFFFE003, lr  }
0x1b: {  	s9 =	sadd.s32 $0xFFFFFEF7, lr;
	s5 =	simm.s32 $0xFFFFFFFF;
	p2 =	slt.u32 s8, $0xFFFFF086  }
0x1c: {  	p1 =	slt.u32 s9, $0xF7A;
	s5 =	simm.s32 @!p2 $0x0  }
0x1d: {  	s5 =	simm.s32 @p1 $0x1;
	p0 =	seq.s32 s7, s2  }
0x1e: {  	s7 =	smul.u32 @!p0 $0xF7A, s2;
	p2 =	seq.s32 @!p0 s5, $0x0  }
0x1f: {  	s9 =	smul.u32 $0xF7A, s1;
	s8 =	simm.s32 @!p0 $0x1BF5;
	p2 =	por !p2, p0  }
0x20: {  	[sflag:s8] =	ssyncset.s32 @!p0 $0xFFFFF086;
	s6 =	sadd.s32 @!p0 s3, s7;
	s7 =	simm.s32 @!p0 $0x108  }
0x21: {  	s3 =	sadd.s32 s3, s9;
	s6 =	sadd.s32 @!p0 $0x88, s6;
	s7 =	simm.s32 @p2 $0x1082  }
0x22: {  	[simem:s7], [sflag:s8] =	dma.local @!p0 [hbm:s6], $0xF7A  }
0x23: {  	s9 =	sor.u32 $0xD0000000, s2;
	s6 =	simm.s32 $0x108;
	_ =	swait.ge @!p0 [sflag:s8], $0x0  }
0x24: {  	s3 =	sadd.s32 $0x88, s3;
	s6 =	simm.s32 @!p1 $0x1082;
	[sflag:s4] =	ssyncset.s32 $0xFFFFF086  }
0x25: {  	[simem:s6], [sflag:s4] =	dma.local [hbm:s3], $0xF7A  }
0x26: {  	[smem:$0x3F96] =	sst s1;
	(tag) =	ssettag s2;
	_ =	strace s9  }
0x27: {  	s1 =	sld [smem:$0x3FA6]  }
0x28: {  	s2 =	sld [smem:$0x3FA7]  }
0x29: {  	s4 =	sld [smem:$0x3FA9]  }
0x2a: {  	p0 =	seq.s32 s5, $0x0;
	s5 =	sld [smem:$0x3FAA]  }
0x2b: {  	s6 =	sld [smem:$0x3FAB]  }
0x2c: {  	s7 =	sld [smem:$0x3FAC]  }
0x2d: {  	s3 =	simm.s32 $0x108;
	s8 =	sld [smem:$0x3FAD]  }
0x2e: {  	s3 =	simm.s32 @!p0 $0x1082;
	s9 =	sld [smem:$0x3FAE]  }
0x2f: {  	lr =	sadd.s32 s0, s3;
	s0 =	sld [smem:$0x3FA5]  }
0x30: {  	s3 =	sld [smem:$0x3FA8]  }
0x31: {  	[smem:$0x3FB1] =	sst s10  }
0x32: {  	s10 =	sld [smem:$0x3FAF];
	_ =	sdelay $0x3  }
0x33: {  	p0 =	seq.s32 s10, $0x1;
	s10 =	sld [smem:$0x3FB1];
	_ =	sdelay $0x3  }
0x34: {  	[smem:$0x3FB1] =	sst s10  }
0x35: {  	s10 =	sld [smem:$0x3FB0];
	_ =	sdelay $0x3  }
0x36: {  	p1 =	seq.s32 s10, $0x1;
	s10 =	sld [smem:$0x3FB1];
	_ =	sdelay $0x3  }
0x37: {  	[smem:$0x3FB1] =	sst s10  }
0x38: {  	s10 =	sld [smem:$0x3FB2]  }
0x39: {  	_ = 	snop;
	(pc) =	sbr.ind lr, $3  }
0x3a: {  	_ = 	snop  }
0x3b: {  	_ = 	snop  }
0x3c: {  	p2 =	seq.s32 s10, $0x1;
	s10 =	sld [smem:$0x3FB1]  }
0x3d: {  	_ =	shalt  }
0x3e: {  	_ =	shalt  }
0x3f: {  	_ =	shalt  }
0x40: {  	_ =	shalt  }
0x41: {  	_ =	shalt  }
0x42: {  	_ =	shalt  }
0x43: {  	_ =	shalt  }
0x44: {  	_ =	shalt  }
0x45: {  	_ =	shalt  }
0x46: {  	_ =	shalt  }
0x47: {  	_ =	shalt  }
0x48: {  	_ =	shalt  }
0x49: {  	_ =	shalt  }
0x4a: {  	_ =	shalt  }
0x4b: {  	_ =	shalt  }
0x4c: {  	_ =	shalt  }
0x4d: {  	_ =	shalt  }
0x4e: {  	_ =	shalt  }
0x4f: {  	_ =	shalt  }
0x50: {  	_ =	shalt  }
0x51: {  	_ =	shalt  }
0x52: {  	_ =	shalt  }
0x53: {  	_ =	shalt  }
0x54: {  	_ =	shalt  }
0x55: {  	_ =	shalt  }
0x56: {  	_ =	shalt  }
0x57: {  	_ =	shalt  }
0x58: {  	_ =	shalt  }
0x59: {  	_ =	shalt  }
0x5a: {  	_ =	shalt  }
0x5b: {  	_ =	shalt  }
0x5c: {  	_ =	shalt  }
0x5d: {  	_ =	shalt  }
0x5e: {  	_ =	shalt  }
0x5f: {  	_ =	shalt  }
0x60: {  	_ =	shalt  }
0x61: {  	_ =	shalt  }
0x62: {  	_ =	shalt  }
0x63: {  	_ =	shalt  }
0x64: {  	_ =	shalt  }
0x65: {  	_ =	shalt  }
0x66: {  	_ =	shalt  }
0x67: {  	_ =	shalt  }
0x68: {  	_ =	shalt  }
0x69: {  	_ =	shalt  }
0x6a: {  	_ =	shalt  }
0x6b: {  	_ =	shalt  }
0x6c: {  	_ =	shalt  }
0x6d: {  	_ =	shalt  }
0x6e: {  	_ =	shalt  }
0x6f: {  	_ =	shalt  }
0x70: {  	_ =	shalt  }
0x71: {  	_ =	shalt  }
0x72: {  	_ =	shalt  }
0x73: {  	_ =	shalt  }
0x74: {  	_ =	shalt  }
0x75: {  	_ =	shalt  }
0x76: {  	_ =	shalt  }
0x77: {  	_ =	shalt  }
0x78: {  	_ =	shalt  }
0x79: {  	_ =	shalt  }
0x7a: {  	_ =	shalt  }
0x7b: {  	_ =	shalt  }
0x7c: {  	_ =	shalt  }
0x7d: {  	_ =	shalt  }
0x7e: {  	_ =	shalt  }
0x7f: {  	_ =	shalt  }
0x80: {  	_ =	shalt  }
0x81: {  	_ =	shalt  }
0x82: {  	_ =	shalt  }
0x83: {  	_ =	shalt  }
0x84: {  	_ =	shalt  }
0x85: {  	_ =	shalt  }
0x86: {  	_ =	shalt  }
0x87: {  	_ =	shalt  }
.Lfunc_end0:
.L_simem_size_0:
called_computation.2_lowered:
.L_overlay_start_0:
0x88: {  	s2 =	sld [smem:$0x3FD9]  }
0x89: {  	s3 =	sld [smem:$0x3FFE];
	_ =	sdelay $0x1  }
0x8a: {  	s1 =	srdreg.scid  }
0x8b: {  	s0 =	sand.u32 $0x1, s1  }
0x8c: {  	s16 =	sshll.u32 s0, $0xA;
	s2 =	sadd.s32 s3, s2  }
0x8d: {  	s2 =	sadd.s32 s2, s16  }
0x8e: {  	[smem:$0x3FBD] =	sst s2  }
0x8f: {  	_ = 	snop  }
0x90: {  	(tm) =	ssettm $0x1  }
0x91: {  	s17 =	sld [smem:$0x3FFB];
	_ =	sdelay $0x3  }
0x92: {  	_ =	strace s17  }
0x93: {  	s2 =	sld [smem:$0x3FFC];
	_ =	sdelay $0x3  }
0x94: {  	_ =	strace s2  }
0x95: {  	s2 =	sld [smem:$0x3FFD];
	_ =	sdelay $0x3  }
0x96: {  	_ =	strace s2  }
0x97: {  	_ =	strace $0x8FFFFFFF  }
0x98: {  	s18 =	sld [smem:$0x3FDB];
	_ =	sdelay $0x1  }
0x99: {  	s19 =	simm.s32 $_scs_section_size  }
0x9a: {  	s4 =	simm.s32 $_size__tile_overlayer_lowered;
	s5 =	simm.s32 $_tile_overlayer_lowered  }
0x9b: {  	s22 =	simm.s32 $0x1BFF;
	s21 =	sshll.u32 s5, $0x1;
	s2 =	sadd.s32 s19, s18  }
0x9c: {  	s6 =	simm.s32 $0x0;
	s20 =	sshll.u32 s4, $0x1;
	s4 =	sadd.s32 s21, s2  }
0x9d: {  	[timem:s6], [sflag:s22] =	dma.local [hbm:s4], s20  }
0x9e: {  	_ =	swait.ge [sflag:s22], s20  }
0x9f: {  	s3 =	ssub.s32 $0x0, s20;
	[sflag:s22] =	ssyncset.done $0x0  }
0xa0: {  	[sflag:s22] =	ssyncadd.s32 s3;
	_ =	sdelay $0x1  }
0xa1: {  	s23 =	simm.s32 $0x1B8B  }
0xa2: {  	_ =	swait.ge [sflag:s23], $0x1  }
0xa3: {  	[sflag:s23] =	ssyncset.done $0x0  }
0xa4: {  	s25 =	simm.s32 $0x1B8E;
	s24 =	sld [smem:$0x3FFE];
	[sflag:s23] =	ssyncadd.s32 $0xFFFFFFFF  }
0xa5: {  	s26 =	simm.s32 $execute0_lowered;
	[smem:$0x3FD2] =	sst s25  }
0xa6: {  	s4 =	sshll.u32 s26, $0x1;
	_ =	strace $0x8000004C;
	[dreg:$0x1] =	wrdreg $0xFFFFFFFF  }
0xa7: {  	s28 =	simm.s32 $_size_execute0_lowered;
	s2 =	sadd.s32 s2, s4;
	[dreg:$0x0] =	wrdreg $0x0  }
0xa8: {  	s4 =	sshll.u32 s28, $0x1;
	[dreg:$0x2] =	wrdreg s2  }
0xa9: {  	[dreg:$0x3] =	wrdreg s4  }
0xaa: {  	[dreg:$0x4] =	wrdreg $0xC0  }
0xab: {  	_ =	task [dreg:s6], $0x5FFFF  }
0xac: {  	[dreg:$0x1] =	wrdreg $0xFFFFFFFF  }
0xad: {  	[dreg:$0x0] =	wrdreg $0x60  }
0xae: {  	[dreg:$0x2] =	wrdreg s24  }
0xaf: {  	[dreg:$0x3] =	wrdreg $0x130000  }
0xb0: {  	[dreg:$0x4] =	wrdreg $0x90000  }
0xb1: {  	[dreg:$0x5] =	wrdreg $0x9  }
0xb2: {  	_ =	task.clear_ibuf [dreg:s6], $0x6FFFF;
	_ =	strace $0x9000004C  }
0xb3: {  	s29 =	simm.s32 $0x9;
	_ =	strace $0x8000004E  }
0xb4: {  	_ =	swait.ge [sflag:s29], $0x1  }
0xb5: {  	[sflag:s29] =	ssyncadd.s32 $0xFFFFFFFF  }
0xb6: {  	_ =	strace $0x9000004E  }
0xb7: {  	_ =	sfence  }
0xb8: {  	s30 =	sld [smem:$0x0];
	_ =	sdelay $0x2  }
0xb9: {  	s31 =	sshll.u32 s1, $0xD;
	s1 =	sshrl.u32 s1, $0x2  }
0xba: {  	s3 =	sand.u32 $0x4000, s31;
	s1 =	sadd.s32 s1, s30  }
0xbb: {  	s0 =	sor.u32 s3, s0;
	s1 =	sshll.u32 s1, $0x11  }
0xbc: {  	s0 =	sor.u32 s1, s0  }
0xbd: {  	s0 =	sadd.s32 $0x8F2B, s0  }
0xbe: {  	[sflag:s0] =	ssyncadd.remote.s32 $0x1  }
0xbf: {  	_ =	sfence.sel $0xFFFF  }
0xc0: {  	[dreg:$0x0] =	wrdreg $0xFFFFFFFF;
	(pc) =	sbr.abs _section_cstart, $3  }
0xc1: {  	[dreg:$0x1] =	wrdreg $0xFFFFFFFF  }
0xc2: {  	_ =	task.clear_ibuf [dreg:s6], $0x2FFFF;
	_ =	strace $0x9FFFFFFF  }
0xc3: {  	(tm) =	ssettm $0x7FFFFFFF  }
tec
execute0_lowered:
.L_overlay_start_1:
0x0: {  	(tag) =	ssettag $0x1  }
0x1: {  	s6 =	rddreg [dreg:$0x0]  }
0x2: {  	s2 =	rddreg [dreg:$0x1]  }
0x3: {  	s3 =	rddreg [dreg:$0x2]  }
0x4: {  	s0 =	rddreg [dreg:$0x3]  }
0x5: {  	s1 =	stileid.u32;
	s4 =	srdreg.scid  }
0x6: {  	s16 =	simm.s32 $0x80;
	s17 =	simm.s32 $0x5000;
	s18 =	simm.s32 $0x3  }
0x7: {  	s19 =	simm.s32 $0x7000;
	s20 =	simm.s32 $0x2880;
	s21 =	simm.s32 $0x1  }
0x8: {  	s22 =	simm.s32 $0x2;
	s23 =	simm.s32 $0x0;
	s9 =	smul.u32 $0xA000, s1  }
0x9: {  	s11 =	sand.u32 $0x1, s4;
	s5 =	sshll.u32 s1, $0x1;
	s4 =	simm.s32 $0x0  }
0xa: {  	s31 =	sshll.u32 s1, $0x6;
	s5 =	sor.u32 s11, s5;
	s7 =	smul.u32 $0xA0000, s11  }
0xb: {  	[smem:$0x7FF] =	sst s4;
	s12 =	ssub.s32 $0x2, s11;
	p0 =	seq.s32 s11, $0x0  }
0xc: {  	s11 =	simm.s32 $0x4;
	s8 =	sshrl.u32 s9, $0x3;
	s5 =	smul.u32 $0x500, s5  }
0xd: {  	_ =	strace $0x8000004D;
	s30 =	sshrl.u32 s12, $0x1;
	s14 =	sadd.s32 s9, s2  }
0xe: {  	s15 =	sadd.s32 s9, s3;
	s8 =	sadd.s32 s8, s6;
	s7 =	sadd.s32 s9, s7  }
0xf: {  	s12 =	ssub.s32 s12, s30;
	s14 =	sshrl.u32 s14, $0x3;
	s15 =	sshrl.u32 s15, $0x3  }
0x10: {  	s10 =	sadd.s32 s5, s6;
	s7 =	sshrl.u32 s7, $0x3;
	s5 =	sadd.s32 $0xD400, s6  }
0x11: {  	s8 =	sadd.s32 $0x44800, s8;
	s13 =	sadd.s32 s7, s6;
	s6 =	sadd.s32 $0x12800, s10  }
0x12: {  	s7 =	sadd.s32 $0x3400, s10;
	s10 =	smax.u32 s12, $0x1;
	s12 =	simm.s32 $0x2800  }
0x13: {  	s5 =	smov.u32 @p0 s8;
	s9 =	sadd.s32 $0x58800, s13;
	s13 =	sor.u32 $0x1C04, s31  }
.LBB2_1:
0x14: {  	[tilespmem:s4], [sflag:$0x4] =	stream.linear.gather [hbm4b:s6+s4], $0x2800, $0x38;
	[tilespmem:$0x1D000] =	vst v63  }
0x15: {  	_ =	swait.ge [sflag:s11], $0x2800  }
0x16: {  	[sflag:s11] =	ssyncset.done $0x0  }
0x17: {  	[sflag:s11] =	ssyncadd.s32 $0xFFFFD800  }
0x18: {  	[tilespmem:s12], [sflag:$0x4] =	stream.linear.gather [hbm4b:s7+s4], $0x2800, $0x38;
	[tilespmem:$0x1D000] =	vst v63  }
0x19: {  	_ =	swait.ge [sflag:s11], $0x2800  }
0x1a: {  	[sflag:s11] =	ssyncset.done $0x0  }
0x1b: {  	[sflag:s11] =	ssyncadd.s32 $0xFFFFD800  }
0x1c: {  	[spmem:s14], [sflag:s13] =	dma.local [hbm:s8], $0x1400  }
0x1d: {  	_ =	swait.ge [sflag:s11], $0x1400  }
0x1e: {  	[sflag:s11] =	ssyncset.done $0x0  }
0x1f: {  	[sflag:s11] =	ssyncadd.s32 $0xFFFFEC00  }
0x20: {  	[spmem:s15], [sflag:s13] =	dma.local [hbm:s5], $0x1400  }
0x21: {  	_ =	swait.ge [sflag:s11], $0x1400  }
0x22: {  	[sflag:s11] =	ssyncset.done $0x0  }
0x23: {  	[sflag:s11] =	ssyncadd.s32 $0xFFFFEC00  }
0x24: {  	[bflag:$0x0] =	sbarrier.arrive $0xFFFF  }
0x25: {  	[tilespmem:s17], [sflag:$0x3] =	stream.indirect.gather [spmem:s2], $0x40, s4, s16, $0xb8;
	[tilespmem:$0x1D000] =	vst v63  }
0x26: {  	_ =	swait.ge [sflag:s18], $0x2000  }
0x27: {  	[sflag:s18] =	ssyncset.done $0x0  }
0x28: {  	[sflag:s18] =	ssyncadd.s32 $0xFFFFE000  }
0x29: {  	[spmem:s3] =	stream.indirect.scatter.add.f32 [tilespmem:s17], [sflag:$0x1], $0x40, s12, s16, $0xb8;
	[tilespmem:$0x1D000] =	vst v63  }
0x2a: {  	_ = 	snop  }
0x2b: {  	[tilespmem:s19], [sflag:$0x3] =	stream.indirect.gather [spmem:s2], $0x40, s16, s16, $0xb8;
	[tilespmem:$0x1D000] =	vst v63  }
0x2c: {  	_ =	swait.ge [sflag:s18], $0x2000  }
0x2d: {  	[sflag:s18] =	ssyncset.done $0x0  }
0x2e: {  	[sflag:s18] =	ssyncadd.s32 $0xFFFFE000  }
0x2f: {  	[spmem:s3] =	stream.indirect.scatter.add.f32 [tilespmem:s19], [sflag:$0x2], $0x40, s20, s16, $0xb8;
	[tilespmem:$0x1D000] =	vst v63  }
0x30: {  	_ =	swait.ge [sflag:s21], $0x2000  }
0x31: {  	[sflag:s21] =	ssyncset.done $0x0  }
0x32: {  	s24 =	simm.s32 $0x100;
	[sflag:s21] =	ssyncadd.s32 $0xFFFFE000  }
0x33: {  	[tilespmem:s17], [sflag:$0x3] =	stream.indirect.gather [spmem:s2], $0x40, s24, s16, $0xb8;
	[tilespmem:$0x1D000] =	vst v63  }
0x34: {  	_ =	swait.ge [sflag:s18], $0x2000  }
0x35: {  	[sflag:s18] =	ssyncset.done $0x0  }
0x36: {  	s30 =	simm.s32 $0x2900;
	[sflag:s18] =	ssyncadd.s32 $0xFFFFE000  }
0x37: {  	[spmem:s3] =	stream.indirect.scatter.add.f32 [tilespmem:s17], [sflag:$0x1], $0x40, s30, s16, $0xb8;
	[tilespmem:$0x1D000] =	vst v63  }
0x38: {  	_ =	swait.ge [sflag:s22], $0x2000  }
0x39: {  	[sflag:s22] =	ssyncset.done $0x0  }
0x3a: {  	s31 =	simm.s32 $0x180;
	[sflag:s22] =	ssyncadd.s32 $0xFFFFE000  }
0x3b: {  	[tilespmem:s19], [sflag:$0x3] =	stream.indirect.gather [spmem:s2], $0x40, s31, s16, $0xb8;
	[tilespmem:$0x1D000] =	vst v63  }
0x3c: {  	_ =	swait.ge [sflag:s18], $0x2000  }
0x3d: {  	[sflag:s18] =	ssyncset.done $0x0  }
0x3e: {  	s25 =	simm.s32 $0x2980;
	s24 =	simm.s32 $0xFFFF6800;
	[sflag:s18] =	ssyncadd.s32 $0xFFFFE000  }
.LBB2_2:
0x3f: {  	[spmem:s3] =	stream.indirect.scatter.add.f32 [tilespmem:s19], [sflag:$0x2], $0x40, s25, s16, $0xb8;
	[tilespmem:$0x1D000] =	vst v63  }
0x40: {  	s25 =	smov.u32 s24  }
0x41: {  	p0 =	sne.s32 s24, $0xFFFFFC00;
	s24 =	sadd.s32 $0x400, s24;
	_ =	swait.ge [sflag:s21], $0x2000  }
0x42: {  	s25 =	sshra.s32 s25, $0x2;
	[sflag:s21] =	ssyncset.done $0x0  }
0x43: {  	s26 =	sadd.s32 $0x2800, s25;
	[sflag:s21] =	ssyncadd.s32 $0xFFFFE000  }
0x44: {  	[tilespmem:s17], [sflag:$0x3] =	stream.indirect.gather [spmem:s2], $0x40, s26, s16, $0xb8;
	[tilespmem:$0x1D000] =	vst v63  }
0x45: {  	_ =	swait.ge [sflag:s18], $0x2000  }
0x46: {  	[sflag:s18] =	ssyncset.done $0x0  }
0x47: {  	s26 =	sadd.s32 $0x5000, s25;
	[sflag:s18] =	ssyncadd.s32 $0xFFFFE000  }
0x48: {  	[spmem:s3] =	stream.indirect.scatter.add.f32 [tilespmem:s17], [sflag:$0x1], $0x40, s26, s16, $0xb8;
	[tilespmem:$0x1D000] =	vst v63  }
0x49: {  	_ =	swait.ge [sflag:s22], $0x2000  }
0x4a: {  	[sflag:s22] =	ssyncset.done $0x0  }
.Ltmp0:
0x4b: {  	s26 =	sadd.s32 $0x2880, s25;
	[sflag:s22] =	ssyncadd.s32 $0xFFFFE000;
	(pc) =	sbr.rel @p0 .LBB2_2-.Ltmp0, $4  }
0x4c: {  	[tilespmem:s19], [sflag:$0x3] =	stream.indirect.gather [spmem:s2], $0x40, s26, s16, $0xb8;
	[tilespmem:$0x1D000] =	vst v63  }
0x4d: {  	_ =	swait.ge [sflag:s18], $0x2000  }
0x4e: {  	[sflag:s18] =	ssyncset.done $0x0  }
0x4f: {  	s25 =	sadd.s32 $0x5080, s25;
	[sflag:s18] =	ssyncadd.s32 $0xFFFFE000  }
0x50: {  	[spmem:s3] =	stream.indirect.scatter.add.f32 [tilespmem:s19], [sflag:$0x2], $0x40, s25, s16, $0xb8;
	[tilespmem:$0x1D000] =	vst v63  }
0x51: {  	_ =	swait.ge [sflag:s21], $0x2000  }
0x52: {  	[sflag:s21] =	ssyncset.done $0x0  }
0x53: {  	[sflag:s21] =	ssyncadd.s32 $0xFFFFE000  }
0x54: {  	_ =	swait.ge [sflag:s22], $0x2000  }
0x55: {  	s23 =	sadd.s32 $0x1, s23;
	[sflag:s22] =	ssyncset.done $0x0  }
0x56: {  	p0 =	sne.s32 s23, s10;
	[sflag:s22] =	ssyncadd.s32 $0xFFFFE000  }
.Ltmp1:
0x57: {  	[bflag:$0x0] =	sbarrier.arrive $0xFFFF;
	(pc) =	sbr.rel @p0 .LBB2_1-.Ltmp1, $4  }
0x58: {  	[hbm:s9], [sflag:s13] =	dma.local [spmem:s15], $0x1400  }
0x59: {  	_ =	swait.ge [sflag:s11], $0x1400  }
0x5a: {  	[sflag:s11] =	ssyncset.done $0x0  }
0x5b: {  	[sflag:s11] =	ssyncadd.s32 $0xFFFFEC00  }
0x5c: {  	_ =	sfence.sel $0x180000  }
0x5d: {  	[bflag:$0x0] =	sbarrier.arrive $0xFFFF  }
0x5e: {  	p0 =	sne.s32 s1, $0x0;
	_ =	strace $0x9000004D  }
0x5f: {  	s0 =	sadd.s32 @!p0 $0x100000, s0;
	[bflag:$0x2] =	sbarrier.arrive $0xFFFF  }
0x60: {  	[sflag:s0] =	ssyncadd.tile.s32 @!p0 $0x1;
	_ =	shalt  }
.Lfunc_end2:
_tile_overlayer_lowered:
.L_overlay_start_2:
0x61: {  	(tag) =	ssettag $0x2  }
0x62: {  	s0 =	rddreg [dreg:$0x0];
	s2 =	stileid.u32  }
0x63: {  	s1 =	rddreg [dreg:$0x1];
	p0 =	sne.s32 s2, $0x0  }
0x64: {  	s3 =	rddreg [dreg:$0x2];
	[bflag:$0x3] =	sbarrier.arrive $0xFFFF;
	s2 =	simm.s32 @!p0 $0x1C04  }
0x65: {  	[timem:s3], [sflag:s2] =	dma.local @!p0 [hbm:s0], s1  }
0x66: {  	s0 =	simm.s32 @!p0 $0x4  }
0x67: {  	_ =	swait.ge @!p0 [sflag:s0], s1  }
0x68: {  	s1 =	ssub.s32 @!p0 $0x0, s1;
	[sflag:s0] =	ssyncset.done @!p0 $0x0  }
0x69: {  	[sflag:s0] =	ssyncadd.s32 @!p0 s1  }
0x6a: {  	[bflag:$0x3] =	sbarrier.arrive $0xFFFF  }
0x6b: {  	_ =	shalt  }

// kernel: kernel.19.cloned.1.call-start
scs
__scs_entry_jumppad:
0x0: {  	(pc) =	sbr.rel $0x88, $3  }
0x1: {  	(tag) =	ssettag $0x0;
	lr =	simm.s32 $0x1  }
0x2: {  	[smem:$0x3F96] =	sst lr;
	_ =	strace $0xD0000000  }
0x3: {  	_ = 	snop  }
0x4: {  	_ = 	snop  }
0x5: {  	_ = 	snop  }
0x6: {  	_ = 	snop  }
0x7: {  	_ = 	snop  }
__scs_overlays_trampoline_lowered:
0x8: {  	[smem:$0x3FA5] =	sst s0  }
0x9: {  	[smem:$0x3FA6] =	sst s1  }
0xa: {  	[smem:$0x3FA7] =	sst s2  }
0xb: {  	[smem:$0x3FA8] =	sst s3  }
0xc: {  	[smem:$0x3FA9] =	sst s4  }
0xd: {  	[smem:$0x3FAA] =	sst s5  }
0xe: {  	[smem:$0x3FAB] =	sst s6  }
0xf: {  	[smem:$0x3FAC] =	sst s7  }
0x10: {  	[smem:$0x3FAD] =	sst s8  }
0x11: {  	[smem:$0x3FAE] =	sst s9;
	s0 =	simm.s32 @!p0 $0x0  }
0x12: {  	s1 =	sld [smem:$0x3F94];
	s0 =	simm.s32 @p0 $0x1  }
0x13: {  	[smem:$0x3FAF] =	sst s0;
	s0 =	simm.s32 @!p1 $0x0  }
0x14: {  	s2 =	sld [smem:$0x3F93];
	s0 =	simm.s32 @p1 $0x1  }
0x15: {  	[smem:$0x3FB0] =	sst s0;
	s0 =	simm.s32 @!p2 $0x0  }
0x16: {  	s3 =	sld [smem:$0x3FDB];
	s0 =	simm.s32 @p2 $0x1  }
0x17: {  	s4 =	simm.s32 $0x1BF5;
	[smem:$0x3FB2] =	sst s0  }
0x18: {  	s0 =	sld [smem:$0x3F95];
	_ =	swait.ge [sflag:s4], $0x0  }
0x19: {  	s7 =	sld [smem:$0x3F96]  }
0x1a: {  	s8 =	sadd.s32 $0xFFFFE003, lr  }
0x1b: {  	s9 =	sadd.s32 $0xFFFFFEF7, lr;
	s5 =	simm.s32 $0xFFFFFFFF;
	p2 =	slt.u32 s8, $0xFFFFF086  }
0x1c: {  	p1 =	slt.u32 s9, $0xF7A;
	s5 =	simm.s32 @!p2 $0x0  }
0x1d: {  	s5 =	simm.s32 @p1 $0x1;
	p0 =	seq.s32 s7, s2  }
0x1e: {  	s7 =	smul.u32 @!p0 $0xF7A, s2;
	p2 =	seq.s32 @!p0 s5, $0x0  }
0x1f: {  	s9 =	smul.u32 $0xF7A, s1;
	s8 =	simm.s32 @!p0 $0x1BF5;
	p2 =	por !p2, p0  }
0x20: {  	[sflag:s8] =	ssyncset.s32 @!p0 $0xFFFFF086;
	s6 =	sadd.s32 @!p0 s3, s7;
	s7 =	simm.s32 @!p0 $0x108  }
0x21: {  	s3 =	sadd.s32 s3, s9;
	s6 =	sadd.s32 @!p0 $0x88, s6;
	s7 =	simm.s32 @p2 $0x1082  }
0x22: {  	[simem:s7], [sflag:s8] =	dma.local @!p0 [hbm:s6], $0xF7A  }
0x23: {  	s9 =	sor.u32 $0xD0000000, s2;
	s6 =	simm.s32 $0x108;
	_ =	swait.ge @!p0 [sflag:s8], $0x0  }
0x24: {  	s3 =	sadd.s32 $0x88, s3;
	s6 =	simm.s32 @!p1 $0x1082;
	[sflag:s4] =	ssyncset.s32 $0xFFFFF086  }
0x25: {  	[simem:s6], [sflag:s4] =	dma.local [hbm:s3], $0xF7A  }
0x26: {  	[smem:$0x3F96] =	sst s1;
	(tag) =	ssettag s2;
	_ =	strace s9  }
0x27: {  	s1 =	sld [smem:$0x3FA6]  }
0x28: {  	s2 =	sld [smem:$0x3FA7]  }
0x29: {  	s4 =	sld [smem:$0x3FA9]  }
0x2a: {  	p0 =	seq.s32 s5, $0x0;
	s5 =	sld [smem:$0x3FAA]  }
0x2b: {  	s6 =	sld [smem:$0x3FAB]  }
0x2c: {  	s7 =	sld [smem:$0x3FAC]  }
0x2d: {  	s3 =	simm.s32 $0x108;
	s8 =	sld [smem:$0x3FAD]  }
0x2e: {  	s3 =	simm.s32 @!p0 $0x1082;
	s9 =	sld [smem:$0x3FAE]  }
0x2f: {  	lr =	sadd.s32 s0, s3;
	s0 =	sld [smem:$0x3FA5]  }
0x30: {  	s3 =	sld [smem:$0x3FA8]  }
0x31: {  	[smem:$0x3FB1] =	sst s10  }
0x32: {  	s10 =	sld [smem:$0x3FAF];
	_ =	sdelay $0x3  }
0x33: {  	p0 =	seq.s32 s10, $0x1;
	s10 =	sld [smem:$0x3FB1];
	_ =	sdelay $0x3  }
0x34: {  	[smem:$0x3FB1] =	sst s10  }
0x35: {  	s10 =	sld [smem:$0x3FB0];
	_ =	sdelay $0x3  }
0x36: {  	p1 =	seq.s32 s10, $0x1;
	s10 =	sld [smem:$0x3FB1];
	_ =	sdelay $0x3  }
0x37: {  	[smem:$0x3FB1] =	sst s10  }
0x38: {  	s10 =	sld [smem:$0x3FB2]  }
0x39: {  	_ = 	snop;
	(pc) =	sbr.ind lr, $3  }
0x3a: {  	_ = 	snop  }
0x3b: {  	_ = 	snop  }
0x3c: {  	p2 =	seq.s32 s10, $0x1;
	s10 =	sld [smem:$0x3FB1]  }
0x3d: {  	_ =	shalt  }
0x3e: {  	_ =	shalt  }
0x3f: {  	_ =	shalt  }
0x40: {  	_ =	shalt  }
0x41: {  	_ =	shalt  }
0x42: {  	_ =	shalt  }
0x43: {  	_ =	shalt  }
0x44: {  	_ =	shalt  }
0x45: {  	_ =	shalt  }
0x46: {  	_ =	shalt  }
0x47: {  	_ =	shalt  }
0x48: {  	_ =	shalt  }
0x49: {  	_ =	shalt  }
0x4a: {  	_ =	shalt  }
0x4b: {  	_ =	shalt  }
0x4c: {  	_ =	shalt  }
0x4d: {  	_ =	shalt  }
0x4e: {  	_ =	shalt  }
0x4f: {  	_ =	shalt  }
0x50: {  	_ =	shalt  }
0x51: {  	_ =	shalt  }
0x52: {  	_ =	shalt  }
0x53: {  	_ =	shalt  }
0x54: {  	_ =	shalt  }
0x55: {  	_ =	shalt  }
0x56: {  	_ =	shalt  }
0x57: {  	_ =	shalt  }
0x58: {  	_ =	shalt  }
0x59: {  	_ =	shalt  }
0x5a: {  	_ =	shalt  }
0x5b: {  	_ =	shalt  }
0x5c: {  	_ =	shalt  }
0x5d: {  	_ =	shalt  }
0x5e: {  	_ =	shalt  }
0x5f: {  	_ =	shalt  }
0x60: {  	_ =	shalt  }
0x61: {  	_ =	shalt  }
0x62: {  	_ =	shalt  }
0x63: {  	_ =	shalt  }
0x64: {  	_ =	shalt  }
0x65: {  	_ =	shalt  }
0x66: {  	_ =	shalt  }
0x67: {  	_ =	shalt  }
0x68: {  	_ =	shalt  }
0x69: {  	_ =	shalt  }
0x6a: {  	_ =	shalt  }
0x6b: {  	_ =	shalt  }
0x6c: {  	_ =	shalt  }
0x6d: {  	_ =	shalt  }
0x6e: {  	_ =	shalt  }
0x6f: {  	_ =	shalt  }
0x70: {  	_ =	shalt  }
0x71: {  	_ =	shalt  }
0x72: {  	_ =	shalt  }
0x73: {  	_ =	shalt  }
0x74: {  	_ =	shalt  }
0x75: {  	_ =	shalt  }
0x76: {  	_ =	shalt  }
0x77: {  	_ =	shalt  }
0x78: {  	_ =	shalt  }
0x79: {  	_ =	shalt  }
0x7a: {  	_ =	shalt  }
0x7b: {  	_ =	shalt  }
0x7c: {  	_ =	shalt  }
0x7d: {  	_ =	shalt  }
0x7e: {  	_ =	shalt  }
0x7f: {  	_ =	shalt  }
0x80: {  	_ =	shalt  }
0x81: {  	_ =	shalt  }
0x82: {  	_ =	shalt  }
0x83: {  	_ =	shalt  }
0x84: {  	_ =	shalt  }
0x85: {  	_ =	shalt  }
0x86: {  	_ =	shalt  }
0x87: {  	_ =	shalt  }
.Lfunc_end0:
.L_simem_size_0:
called_computation.3_lowered:
.L_overlay_start_0:
0x88: {  	s2 =	sld [smem:$0x3FD9]  }
0x89: {  	s3 =	sld [smem:$0x3FFE];
	_ =	sdelay $0x1  }
0x8a: {  	s1 =	srdreg.scid  }
0x8b: {  	s0 =	sand.u32 $0x1, s1  }
0x8c: {  	s16 =	sshll.u32 s0, $0xA;
	s2 =	sadd.s32 s3, s2  }
0x8d: {  	s2 =	sadd.s32 s2, s16  }
0x8e: {  	[smem:$0x3FBD] =	sst s2  }
0x8f: {  	_ = 	snop  }
0x90: {  	(tm) =	ssettm $0x1  }
0x91: {  	s17 =	sld [smem:$0x3FFB];
	_ =	sdelay $0x3  }
0x92: {  	_ =	strace s17  }
0x93: {  	s2 =	sld [smem:$0x3FFC];
	_ =	sdelay $0x3  }
0x94: {  	_ =	strace s2  }
0x95: {  	s2 =	sld [smem:$0x3FFD];
	_ =	sdelay $0x3  }
0x96: {  	_ =	strace s2  }
0x97: {  	_ =	strace $0x8FFFFFFF  }
0x98: {  	s18 =	sld [smem:$0x3FDB];
	_ =	sdelay $0x1  }
0x99: {  	s19 =	simm.s32 $_scs_section_size  }
0x9a: {  	s4 =	simm.s32 $_size__tile_overlayer_lowered;
	s5 =	simm.s32 $_tile_overlayer_lowered  }
0x9b: {  	s22 =	simm.s32 $0x1BFF;
	s21 =	sshll.u32 s5, $0x1;
	s2 =	sadd.s32 s19, s18  }
0x9c: {  	s6 =	simm.s32 $0x0;
	s20 =	sshll.u32 s4, $0x1;
	s4 =	sadd.s32 s21, s2  }
0x9d: {  	[timem:s6], [sflag:s22] =	dma.local [hbm:s4], s20  }
0x9e: {  	_ =	swait.ge [sflag:s22], s20  }
0x9f: {  	s3 =	ssub.s32 $0x0, s20;
	[sflag:s22] =	ssyncset.done $0x0  }
0xa0: {  	[sflag:s22] =	ssyncadd.s32 s3;
	_ =	sdelay $0x1  }
0xa1: {  	s23 =	simm.s32 $0x1B8B  }
0xa2: {  	_ =	swait.ge [sflag:s23], $0x1  }
0xa3: {  	[sflag:s23] =	ssyncset.done $0x0  }
0xa4: {  	s25 =	simm.s32 $0x1B8E;
	s24 =	sld [smem:$0x3FFE];
	[sflag:s23] =	ssyncadd.s32 $0xFFFFFFFF  }
0xa5: {  	s26 =	simm.s32 $execute0_lowered;
	[smem:$0x3FD2] =	sst s25  }
0xa6: {  	s4 =	sshll.u32 s26, $0x1;
	_ =	strace $0x8000004F;
	[dreg:$0x1] =	wrdreg $0xFFFFFFFF  }
0xa7: {  	s28 =	simm.s32 $_size_execute0_lowered;
	s2 =	sadd.s32 s2, s4;
	[dreg:$0x0] =	wrdreg $0x0  }
0xa8: {  	s4 =	sshll.u32 s28, $0x1;
	[dreg:$0x2] =	wrdreg s2  }
0xa9: {  	[dreg:$0x3] =	wrdreg s4  }
0xaa: {  	[dreg:$0x4] =	wrdreg $0xC0  }
0xab: {  	_ =	task [dreg:s6], $0x5FFFF  }
0xac: {  	[dreg:$0x1] =	wrdreg $0xFFFFFFFF  }
0xad: {  	[dreg:$0x0] =	wrdreg $0x60  }
0xae: {  	[dreg:$0x2] =	wrdreg s24  }
0xaf: {  	[dreg:$0x3] =	wrdreg $0x130000  }
0xb0: {  	[dreg:$0x4] =	wrdreg $0x90000  }
0xb1: {  	[dreg:$0x5] =	wrdreg $0x9  }
0xb2: {  	_ =	task.clear_ibuf [dreg:s6], $0x6FFFF;
	_ =	strace $0x9000004F  }
0xb3: {  	s29 =	simm.s32 $0x9;
	_ =	strace $0x80000051  }
0xb4: {  	_ =	swait.ge [sflag:s29], $0x1  }
0xb5: {  	[sflag:s29] =	ssyncadd.s32 $0xFFFFFFFF  }
0xb6: {  	_ =	strace $0x90000051  }
0xb7: {  	_ =	sfence  }
0xb8: {  	s30 =	sld [smem:$0x0];
	_ =	sdelay $0x2  }
0xb9: {  	s31 =	sshll.u32 s1, $0xD;
	s1 =	sshrl.u32 s1, $0x2  }
0xba: {  	s3 =	sand.u32 $0x4000, s31;
	s1 =	sadd.s32 s1, s30  }
0xbb: {  	s0 =	sor.u32 s3, s0;
	s1 =	sshll.u32 s1, $0x11  }
0xbc: {  	s0 =	sor.u32 s1, s0  }
0xbd: {  	s0 =	sadd.s32 $0x8F2B, s0  }
0xbe: {  	[sflag:s0] =	ssyncadd.remote.s32 $0x1  }
0xbf: {  	_ =	sfence.sel $0xFFFF  }
0xc0: {  	[dreg:$0x0] =	wrdreg $0xFFFFFFFF;
	(pc) =	sbr.abs _section_cstart, $3  }
0xc1: {  	[dreg:$0x1] =	wrdreg $0xFFFFFFFF  }
0xc2: {  	_ =	task.clear_ibuf [dreg:s6], $0x2FFFF;
	_ =	strace $0x9FFFFFFF  }
0xc3: {  	(tm) =	ssettm $0x7FFFFFFF  }
tec
execute0_lowered:
.L_overlay_start_1:
0x0: {  	(tag) =	ssettag $0x1  }
0x1: {  	s6 =	rddreg [dreg:$0x0]  }
0x2: {  	s2 =	rddreg [dreg:$0x1]  }
0x3: {  	s3 =	rddreg [dreg:$0x2]  }
0x4: {  	s0 =	rddreg [dreg:$0x3]  }
0x5: {  	s1 =	stileid.u32;
	s4 =	srdreg.scid  }
0x6: {  	s16 =	simm.s32 $0x80;
	s17 =	simm.s32 $0x5000;
	s18 =	simm.s32 $0x3  }
0x7: {  	s19 =	simm.s32 $0x7000;
	s20 =	simm.s32 $0x2880;
	s21 =	simm.s32 $0x1  }
0x8: {  	s22 =	simm.s32 $0x2;
	s23 =	simm.s32 $0x0;
	s9 =	smul.u32 $0xA000, s1  }
0x9: {  	s11 =	sand.u32 $0x1, s4;
	s5 =	sshll.u32 s1, $0x1;
	s4 =	simm.s32 $0x0  }
0xa: {  	s31 =	sshll.u32 s1, $0x6;
	s5 =	sor.u32 s11, s5;
	s7 =	smul.u32 $0xA0000, s11  }
0xb: {  	[smem:$0x7FF] =	sst s4;
	s12 =	ssub.s32 $0x2, s11;
	p0 =	seq.s32 s11, $0x0  }
0xc: {  	s11 =	simm.s32 $0x4;
	s8 =	sshrl.u32 s9, $0x3;
	s5 =	smul.u32 $0x500, s5  }
0xd: {  	_ =	strace $0x80000050;
	s30 =	sshrl.u32 s12, $0x1;
	s14 =	sadd.s32 s9, s2  }
0xe: {  	s15 =	sadd.s32 s9, s3;
	s8 =	sadd.s32 s8, s6;
	s7 =	sadd.s32 s9, s7  }
0xf: {  	s12 =	ssub.s32 s12, s30;
	s14 =	sshrl.u32 s14, $0x3;
	s15 =	sshrl.u32 s15, $0x3  }
0x10: {  	s10 =	sadd.s32 s5, s6;
	s7 =	sshrl.u32 s7, $0x3;
	s5 =	sadd.s32 $0xD400, s6  }
0x11: {  	s8 =	sadd.s32 $0x44800, s8;
	s13 =	sadd.s32 s7, s6;
	s6 =	sadd.s32 $0x12800, s10  }
0x12: {  	s7 =	sadd.s32 $0x3400, s10;
	s10 =	smax.u32 s12, $0x1;
	s12 =	simm.s32 $0x2800  }
0x13: {  	s5 =	smov.u32 @p0 s8;
	s9 =	sadd.s32 $0x58800, s13;
	s13 =	sor.u32 $0x1C04, s31  }
.LBB2_1:
0x14: {  	[tilespmem:s4], [sflag:$0x4] =	stream.linear.gather [hbm4b:s6+s4], $0x2800, $0x38;
	[tilespmem:$0x1D000] =	vst v63  }
0x15: {  	_ =	swait.ge [sflag:s11], $0x2800  }
0x16: {  	[sflag:s11] =	ssyncset.done $0x0  }
0x17: {  	[sflag:s11] =	ssyncadd.s32 $0xFFFFD800  }
0x18: {  	[tilespmem:s12], [sflag:$0x4] =	stream.linear.gather [hbm4b:s7+s4], $0x2800, $0x38;
	[tilespmem:$0x1D000] =	vst v63  }
0x19: {  	_ =	swait.ge [sflag:s11], $0x2800  }
0x1a: {  	[sflag:s11] =	ssyncset.done $0x0  }
0x1b: {  	[sflag:s11] =	ssyncadd.s32 $0xFFFFD800  }
0x1c: {  	[spmem:s14], [sflag:s13] =	dma.local [hbm:s8], $0x1400  }
0x1d: {  	_ =	swait.ge [sflag:s11], $0x1400  }
0x1e: {  	[sflag:s11] =	ssyncset.done $0x0  }
0x1f: {  	[sflag:s11] =	ssyncadd.s32 $0xFFFFEC00  }
0x20: {  	[spmem:s15], [sflag:s13] =	dma.local [hbm:s5], $0x1400  }
0x21: {  	_ =	swait.ge [sflag:s11], $0x1400  }
0x22: {  	[sflag:s11] =	ssyncset.done $0x0  }
0x23: {  	[sflag:s11] =	ssyncadd.s32 $0xFFFFEC00  }
0x24: {  	[bflag:$0x0] =	sbarrier.arrive $0xFFFF  }
0x25: {  	[tilespmem:s17], [sflag:$0x3] =	stream.indirect.gather [spmem:s2], $0x40, s4, s16, $0xb8;
	[tilespmem:$0x1D000] =	vst v63  }
0x26: {  	_ =	swait.ge [sflag:s18], $0x2000  }
0x27: {  	[sflag:s18] =	ssyncset.done $0x0  }
0x28: {  	[sflag:s18] =	ssyncadd.s32 $0xFFFFE000  }
0x29: {  	[spmem:s3] =	stream.indirect.scatter.add.f32 [tilespmem:s17], [sflag:$0x1], $0x40, s12, s16, $0xb8;
	[tilespmem:$0x1D000] =	vst v63  }
0x2a: {  	_ = 	snop  }
0x2b: {  	[tilespmem:s19], [sflag:$0x3] =	stream.indirect.gather [spmem:s2], $0x40, s16, s16, $0xb8;
	[tilespmem:$0x1D000] =	vst v63  }
0x2c: {  	_ =	swait.ge [sflag:s18], $0x2000  }
0x2d: {  	[sflag:s18] =	ssyncset.done $0x0  }
0x2e: {  	[sflag:s18] =	ssyncadd.s32 $0xFFFFE000  }
0x2f: {  	[spmem:s3] =	stream.indirect.scatter.add.f32 [tilespmem:s19], [sflag:$0x2], $0x40, s20, s16, $0xb8;
	[tilespmem:$0x1D000] =	vst v63  }
0x30: {  	_ =	swait.ge [sflag:s21], $0x2000  }
0x31: {  	[sflag:s21] =	ssyncset.done $0x0  }
0x32: {  	s24 =	simm.s32 $0x100;
	[sflag:s21] =	ssyncadd.s32 $0xFFFFE000  }
0x33: {  	[tilespmem:s17], [sflag:$0x3] =	stream.indirect.gather [spmem:s2], $0x40, s24, s16, $0xb8;
	[tilespmem:$0x1D000] =	vst v63  }
0x34: {  	_ =	swait.ge [sflag:s18], $0x2000  }
0x35: {  	[sflag:s18] =	ssyncset.done $0x0  }
0x36: {  	s30 =	simm.s32 $0x2900;
	[sflag:s18] =	ssyncadd.s32 $0xFFFFE000  }
0x37: {  	[spmem:s3] =	stream.indirect.scatter.add.f32 [tilespmem:s17], [sflag:$0x1], $0x40, s30, s16, $0xb8;
	[tilespmem:$0x1D000] =	vst v63  }
0x38: {  	_ =	swait.ge [sflag:s22], $0x2000  }
0x39: {  	[sflag:s22] =	ssyncset.done $0x0  }
0x3a: {  	s31 =	simm.s32 $0x180;
	[sflag:s22] =	ssyncadd.s32 $0xFFFFE000  }
0x3b: {  	[tilespmem:s19], [sflag:$0x3] =	stream.indirect.gather [spmem:s2], $0x40, s31, s16, $0xb8;
	[tilespmem:$0x1D000] =	vst v63  }
0x3c: {  	_ =	swait.ge [sflag:s18], $0x2000  }
0x3d: {  	[sflag:s18] =	ssyncset.done $0x0  }
0x3e: {  	s25 =	simm.s32 $0x2980;
	s24 =	simm.s32 $0xFFFF6800;
	[sflag:s18] =	ssyncadd.s32 $0xFFFFE000  }
.LBB2_2:
0x3f: {  	[spmem:s3] =	stream.indirect.scatter.add.f32 [tilespmem:s19], [sflag:$0x2], $0x40, s25, s16, $0xb8;
	[tilespmem:$0x1D000] =	vst v63  }
0x40: {  	s25 =	smov.u32 s24  }
0x41: {  	p0 =	sne.s32 s24, $0xFFFFFC00;
	s24 =	sadd.s32 $0x400, s24;
	_ =	swait.ge [sflag:s21], $0x2000  }
0x42: {  	s25 =	sshra.s32 s25, $0x2;
	[sflag:s21] =	ssyncset.done $0x0  }
0x43: {  	s26 =	sadd.s32 $0x2800, s25;
	[sflag:s21] =	ssyncadd.s32 $0xFFFFE000  }
0x44: {  	[tilespmem:s17], [sflag:$0x3] =	stream.indirect.gather [spmem:s2], $0x40, s26, s16, $0xb8;
	[tilespmem:$0x1D000] =	vst v63  }
0x45: {  	_ =	swait.ge [sflag:s18], $0x2000  }
0x46: {  	[sflag:s18] =	ssyncset.done $0x0  }
0x47: {  	s26 =	sadd.s32 $0x5000, s25;
	[sflag:s18] =	ssyncadd.s32 $0xFFFFE000  }
0x48: {  	[spmem:s3] =	stream.indirect.scatter.add.f32 [tilespmem:s17], [sflag:$0x1], $0x40, s26, s16, $0xb8;
	[tilespmem:$0x1D000] =	vst v63  }
0x49: {  	_ =	swait.ge [sflag:s22], $0x2000  }
0x4a: {  	[sflag:s22] =	ssyncset.done $0x0  }
.Ltmp0:
0x4b: {  	s26 =	sadd.s32 $0x2880, s25;
	[sflag:s22] =	ssyncadd.s32 $0xFFFFE000;
	(pc) =	sbr.rel @p0 .LBB2_2-.Ltmp0, $4  }
0x4c: {  	[tilespmem:s19], [sflag:$0x3] =	stream.indirect.gather [spmem:s2], $0x40, s26, s16, $0xb8;
	[tilespmem:$0x1D000] =	vst v63  }
0x4d: {  	_ =	swait.ge [sflag:s18], $0x2000  }
0x4e: {  	[sflag:s18] =	ssyncset.done $0x0  }
0x4f: {  	s25 =	sadd.s32 $0x5080, s25;
	[sflag:s18] =	ssyncadd.s32 $0xFFFFE000  }
0x50: {  	[spmem:s3] =	stream.indirect.scatter.add.f32 [tilespmem:s19], [sflag:$0x2], $0x40, s25, s16, $0xb8;
	[tilespmem:$0x1D000] =	vst v63  }
0x51: {  	_ =	swait.ge [sflag:s21], $0x2000  }
0x52: {  	[sflag:s21] =	ssyncset.done $0x0  }
0x53: {  	[sflag:s21] =	ssyncadd.s32 $0xFFFFE000  }
0x54: {  	_ =	swait.ge [sflag:s22], $0x2000  }
0x55: {  	s23 =	sadd.s32 $0x1, s23;
	[sflag:s22] =	ssyncset.done $0x0  }
0x56: {  	p0 =	sne.s32 s23, s10;
	[sflag:s22] =	ssyncadd.s32 $0xFFFFE000  }
.Ltmp1:
0x57: {  	[bflag:$0x0] =	sbarrier.arrive $0xFFFF;
	(pc) =	sbr.rel @p0 .LBB2_1-.Ltmp1, $4  }
0x58: {  	[hbm:s9], [sflag:s13] =	dma.local [spmem:s15], $0x1400  }
0x59: {  	_ =	swait.ge [sflag:s11], $0x1400  }
0x5a: {  	[sflag:s11] =	ssyncset.done $0x0  }
0x5b: {  	[sflag:s11] =	ssyncadd.s32 $0xFFFFEC00  }
0x5c: {  	_ =	sfence.sel $0x180000  }
0x5d: {  	[bflag:$0x0] =	sbarrier.arrive $0xFFFF  }
0x5e: {  	p0 =	sne.s32 s1, $0x0;
	_ =	strace $0x90000050  }
0x5f: {  	s0 =	sadd.s32 @!p0 $0x100000, s0;
	[bflag:$0x2] =	sbarrier.arrive $0xFFFF  }
0x60: {  	[sflag:s0] =	ssyncadd.tile.s32 @!p0 $0x1;
	_ =	shalt  }
.Lfunc_end2:
_tile_overlayer_lowered:
.L_overlay_start_2:
0x61: {  	(tag) =	ssettag $0x2  }
0x62: {  	s0 =	rddreg [dreg:$0x0];
	s2 =	stileid.u32  }
0x63: {  	s1 =	rddreg [dreg:$0x1];
	p0 =	sne.s32 s2, $0x0  }
0x64: {  	s3 =	rddreg [dreg:$0x2];
	[bflag:$0x3] =	sbarrier.arrive $0xFFFF;
	s2 =	simm.s32 @!p0 $0x1C04  }
0x65: {  	[timem:s3], [sflag:s2] =	dma.local @!p0 [hbm:s0], s1  }
0x66: {  	s0 =	simm.s32 @!p0 $0x4  }
0x67: {  	_ =	swait.ge @!p0 [sflag:s0], s1  }
0x68: {  	s1 =	ssub.s32 @!p0 $0x0, s1;
	[sflag:s0] =	ssyncset.done @!p0 $0x0  }
0x69: {  	[sflag:s0] =	ssyncadd.s32 @!p0 s1  }
0x6a: {  	[bflag:$0x3] =	sbarrier.arrive $0xFFFF  }
0x6b: {  	_ =	shalt  }

</sc_bundles>
